<compile_context>
chip_gen: v7x
topology: tpu7x:2x2x1
jax: 0.10.2.dev20260603
libtpu: 0.0.44.dev20260713+nightly
codegen_flags: <defaults>
</compile_context>

<pallas_src>
import functools

import jax
import jax.numpy as jnp
from jax import lax
from jax.experimental import pallas as pl
from jax.experimental.pallas import tpu as pltpu
from jax.experimental.pallas import tpu_sc as plsc

VOCAB = 1000000
EMBED_DIM = 64
BATCH = 16384
SEQ = 50

NC = 2
NS = 16
NW = NC * NS

SEQ_PAD = 56
EMBED_PAD = 128
BPW = BATCH // NW
CHUNK = 256
QS = CHUNK // 128
HS = BPW // CHUNK
N_CHUNKS = SEQ * HS
NB = 4


def _gather_kernel(table, idx, out, idx_v, rows_a, rows_b, rows_c, rows_d,
                   gsem_a, gsem_b, gsem_c, gsem_d,
                   wsem_a, wsem_b, wsem_c, wsem_d):
    wid = lax.axis_index("s") * NC + lax.axis_index("c")
    b0 = wid * BPW

    rows = (rows_a, rows_b, rows_c, rows_d)
    gsem = (gsem_a, gsem_b, gsem_c, gsem_d)
    wsem = (wsem_a, wsem_b, wsem_c, wsem_d)

    pltpu.sync_copy(idx.at[pl.ds(0, SEQ), pl.ds(b0, BPW)], idx_v)

    def fire_gathers(g, b):
        s = g // HS
        h = g - s * HS
        for q in range(QS):
            pltpu.async_copy(
                table.at[idx_v.at[s, pl.ds(h * CHUNK + q * 128, 128)]],
                rows[b].at[pl.ds(q * 128, 128)],
                gsem[b],
            )

    def drain_gathers(b):
        pltpu.make_async_copy(table.at[pl.ds(0, CHUNK)], rows[b],
                              gsem[b]).wait()

    def fire_writeback(g, b):
        s = g // HS
        h = g - s * HS
        pltpu.async_copy(
            rows[b],
            out.at[pl.ds(b0 + h * CHUNK, CHUNK), s, pl.ds(0, EMBED_DIM)],
            wsem[b],
        )

    def drain_writeback(b):
        pltpu.make_async_copy(
            rows[b],
            out.at[pl.ds(b0, CHUNK), 0, pl.ds(0, EMBED_DIM)],
            wsem[b],
        ).wait()

    for b in range(NB):
        fire_gathers(b, b)

    @pl.loop(0, N_CHUNKS, step=NB)
    def _step(g0):
        for b in range(NB):
            g = g0 + b
            drain_gathers(b)
            fire_writeback(g, b)
            nxt = g + NB

            @pl.when(nxt < N_CHUNKS)
            def _():
                drain_writeback(b)
                fire_gathers(nxt, b)

    for b in range(NB):
        drain_writeback(b)


@jax.jit
def _embedding_gather(xt, table):
    mesh = plsc.VectorSubcoreMesh(core_axis_name="c", subcore_axis_name="s")
    run = functools.partial(
        pl.kernel,
        mesh=mesh,
        out_type=jax.ShapeDtypeStruct((BATCH, SEQ_PAD, EMBED_PAD), jnp.float32),
        scratch_types=[
            pltpu.VMEM((SEQ, BPW), jnp.int32),
            pltpu.VMEM((CHUNK, EMBED_DIM), jnp.float32),
            pltpu.VMEM((CHUNK, EMBED_DIM), jnp.float32),
            pltpu.VMEM((CHUNK, EMBED_DIM), jnp.float32),
            pltpu.VMEM((CHUNK, EMBED_DIM), jnp.float32),
            pltpu.SemaphoreType.DMA,
            pltpu.SemaphoreType.DMA,
            pltpu.SemaphoreType.DMA,
            pltpu.SemaphoreType.DMA,
            pltpu.SemaphoreType.DMA,
            pltpu.SemaphoreType.DMA,
            pltpu.SemaphoreType.DMA,
            pltpu.SemaphoreType.DMA,
        ],
        compiler_params=pltpu.CompilerParams(use_tc_tiling_on_sc=False),
    )(_gather_kernel)
    return run(table, xt)


def kernel(x, embedding):
    xt = x.T.astype(jnp.int32)
    out = _embedding_gather(xt, embedding)
    return out[:, :SEQ, :EMBED_DIM]

# --- scband reference (transcript-rebuilt; emitter-appended) ---
"""Pipeline reference for scband-bigram-77824807404116 (READ-ONLY COPY).

The authoritative reference and input builder live on the scoring server;
editing this copy changes nothing except your own understanding.
"""

import jax, jax.numpy as jnp
import numpy as np

VOCAB = 1000000
EMBED_DIM = 64
BATCH = 16384
SEQ = 50

def setup_inputs(seed: int = 0) -> dict:
    key = jax.random.key(seed)
    k1, k2 = jax.random.split(key)
    x = jax.random.randint(k1, (BATCH, SEQ), 0, VOCAB)
    embedding = jax.random.normal(k2, (VOCAB, EMBED_DIM), dtype=jnp.float32)
    return {"x": x, "embedding": embedding}

def reference(x, embedding):
    # nn.Embedding forward == row gather from the table
    y = jnp.take(embedding, x, axis=0)
    return y

if __name__ == "__main__":
    import jax
    _d = setup_inputs()
    print(jax.jit(kernel)(*tuple(_d.values())))

</pallas_src>

<mosaic_0001>
#map = affine_map<(d0, d1) -> (0, 0)>
#map1 = affine_map<(d0, d1) -> (0, 0, 0)>
module attributes {stable_mosaic.version = 14 : i64} {
  func.func @_gather_kernel(%arg0: i32, %arg1: i32, %arg2: memref<1000000x64xf32, #tpu.memory_space<hbm>>, %arg3: memref<50x16384xi32, #tpu.memory_space<hbm>>, %arg4: memref<16384x56x128xf32, #tpu.memory_space<hbm>>, %arg5: memref<50x512xi32, #tpu.memory_space<vmem>>, %arg6: memref<256x64xf32, #tpu.memory_space<vmem>>, %arg7: memref<256x64xf32, #tpu.memory_space<vmem>>, %arg8: memref<256x64xf32, #tpu.memory_space<vmem>>, %arg9: memref<256x64xf32, #tpu.memory_space<vmem>>, %arg10: memref<!tpu.dma_semaphore, #tpu.memory_space<semaphore_mem>>, %arg11: memref<!tpu.dma_semaphore, #tpu.memory_space<semaphore_mem>>, %arg12: memref<!tpu.dma_semaphore, #tpu.memory_space<semaphore_mem>>, %arg13: memref<!tpu.dma_semaphore, #tpu.memory_space<semaphore_mem>>, %arg14: memref<!tpu.dma_semaphore, #tpu.memory_space<semaphore_mem>>, %arg15: memref<!tpu.dma_semaphore, #tpu.memory_space<semaphore_mem>>, %arg16: memref<!tpu.dma_semaphore, #tpu.memory_space<semaphore_mem>>, %arg17: memref<!tpu.dma_semaphore, #tpu.memory_space<semaphore_mem>>) attributes {dimension_semantics = [#tpu.dimension_semantics<core_parallel>, #tpu.dimension_semantics<subcore_parallel>], iteration_bounds = array<i64: 2, 16>, scalar_prefetch = 0 : i64, scratch_operands = 13 : i64, tpu.core_type = #tpu.core_type<sc_vector_subcore>, window_params = [{transform_indices = #map}, {transform_indices = #map}, {transform_indices = #map1}]} {
    %mul3A = arith.constant 2 : i32
    %mul3A_0 = arith.muli %arg1, %mul3A : i32
    %add3A = arith.addi %mul3A_0, %arg0 : i32
    %mul3A_1 = arith.constant 512 : i32
    %mul3A_2 = arith.muli %add3A, %mul3A_1 : i32
    "tpu.region"() ({
      %run_scoped3A = tpu.sem_alloc : memref<!tpu.dma_semaphore, #tpu.memory_space<semaphore_mem>>
      %dma_start3A_113 = arith.constant 0 : i32
      %dma_start3A_114 = tpu.memref_slice %arg3[%dma_start3A_113, %mul3A_2] : memref<50x16384xi32, #tpu.memory_space<hbm>> -> memref<50x512xi32, #tpu.memory_space<hbm>>
      %dma_start3A_115 = arith.constant 0 : i32
      %dma_start3A_116 = tpu.memref_slice %arg3[%dma_start3A_115, %mul3A_2] : memref<50x16384xi32, #tpu.memory_space<hbm>> -> memref<50x512xi32, #tpu.memory_space<hbm>>
      tpu.enqueue_dma source(%dma_start3A_116 : memref<50x512xi32, #tpu.memory_space<hbm>>) target(%arg5 : memref<50x512xi32, #tpu.memory_space<vmem>>) target_semaphore(%run_scoped3A : memref<!tpu.dma_semaphore, #tpu.memory_space<semaphore_mem>>)
      %dma_wait3A_117 = arith.constant 0 : i32
      %dma_wait3A_118 = tpu.memref_slice %arg3[%dma_wait3A_117, %mul3A_2] : memref<50x16384xi32, #tpu.memory_space<hbm>> -> memref<50x512xi32, #tpu.memory_space<hbm>>
      %dma_wait3A_119 = arith.constant 0 : i32
      %dma_wait3A_120 = tpu.memref_slice %arg3[%dma_wait3A_119, %mul3A_2] : memref<50x16384xi32, #tpu.memory_space<hbm>> -> memref<50x512xi32, #tpu.memory_space<hbm>>
      tpu.wait_dma2 semaphore(%run_scoped3A : memref<!tpu.dma_semaphore, #tpu.memory_space<semaphore_mem>>) src(%dma_wait3A_120 : memref<50x512xi32, #tpu.memory_space<hbm>>) dst(%arg5 : memref<50x512xi32, #tpu.memory_space<vmem>>)
      tpu.yield
    }) : () -> ()
    %dma_start3A = arith.constant 0 : i32
    %dma_start3A_3 = arith.constant 0 : i32
    %dma_start3A_4 = arith.constant 0 : i32
    %dma_start3A_5 = tpu.memref_slice %arg6[%dma_start3A_3, %dma_start3A_4] : memref<256x64xf32, #tpu.memory_space<vmem>> -> memref<128x64xf32, #tpu.memory_space<vmem>>
    %dma_start3A_6 = arith.constant 0 : i32
    %dma_start3A_7 = tpu.memref_slice %arg5[%dma_start3A, %dma_start3A_6] : memref<50x512xi32, #tpu.memory_space<vmem>> -> memref<1x128xi32, #tpu.memory_space<vmem>>
    %dma_start3A_8 = tpu.memref_squeeze %dma_start3A_7 : memref<1x128xi32, #tpu.memory_space<vmem>> -> memref<128xi32, #tpu.memory_space<vmem>>
    %dma_start3A_9 = arith.constant 0 : i32
    %dma_start3A_10 = arith.constant 0 : i32
    %dma_start3A_11 = tpu.memref_slice %arg2[%dma_start3A_9, %dma_start3A_10] : memref<1000000x64xf32, #tpu.memory_space<hbm>> -> memref<1000000x64xf32, #tpu.memory_space<hbm>>
    tpu.enqueue_indirect_dma source(%dma_start3A_11 : memref<1000000x64xf32, #tpu.memory_space<hbm>>) target(%dma_start3A_5 : memref<128x64xf32, #tpu.memory_space<vmem>>) offsets(%dma_start3A_8 : memref<128xi32, #tpu.memory_space<vmem>>) semaphore(%arg10 : memref<!tpu.dma_semaphore, #tpu.memory_space<semaphore_mem>>)
    %dma_start3A_12 = arith.constant 0 : i32
    %dma_start3A_13 = arith.constant 128 : i32
    %dma_start3A_14 = arith.constant 0 : i32
    %dma_start3A_15 = tpu.memref_slice %arg6[%dma_start3A_13, %dma_start3A_14] : memref<256x64xf32, #tpu.memory_space<vmem>> -> memref<128x64xf32, #tpu.memory_space<vmem>>
    %dma_start3A_16 = arith.constant 128 : i32
    %dma_start3A_17 = tpu.memref_slice %arg5[%dma_start3A_12, %dma_start3A_16] : memref<50x512xi32, #tpu.memory_space<vmem>> -> memref<1x128xi32, #tpu.memory_space<vmem>>
    %dma_start3A_18 = tpu.memref_squeeze %dma_start3A_17 : memref<1x128xi32, #tpu.memory_space<vmem>> -> memref<128xi32, #tpu.memory_space<vmem>>
    %dma_start3A_19 = arith.constant 0 : i32
    %dma_start3A_20 = arith.constant 0 : i32
    %dma_start3A_21 = tpu.memref_slice %arg2[%dma_start3A_19, %dma_start3A_20] : memref<1000000x64xf32, #tpu.memory_space<hbm>> -> memref<1000000x64xf32, #tpu.memory_space<hbm>>
    tpu.enqueue_indirect_dma source(%dma_start3A_21 : memref<1000000x64xf32, #tpu.memory_space<hbm>>) target(%dma_start3A_15 : memref<128x64xf32, #tpu.memory_space<vmem>>) offsets(%dma_start3A_18 : memref<128xi32, #tpu.memory_space<vmem>>) semaphore(%arg10 : memref<!tpu.dma_semaphore, #tpu.memory_space<semaphore_mem>>)
    %dma_start3A_22 = arith.constant 0 : i32
    %dma_start3A_23 = arith.constant 0 : i32
    %dma_start3A_24 = arith.constant 0 : i32
    %dma_start3A_25 = tpu.memref_slice %arg7[%dma_start3A_23, %dma_start3A_24] : memref<256x64xf32, #tpu.memory_space<vmem>> -> memref<128x64xf32, #tpu.memory_space<vmem>>
    %dma_start3A_26 = arith.constant 256 : i32
    %dma_start3A_27 = tpu.memref_slice %arg5[%dma_start3A_22, %dma_start3A_26] : memref<50x512xi32, #tpu.memory_space<vmem>> -> memref<1x128xi32, #tpu.memory_space<vmem>>
    %dma_start3A_28 = tpu.memref_squeeze %dma_start3A_27 : memref<1x128xi32, #tpu.memory_space<vmem>> -> memref<128xi32, #tpu.memory_space<vmem>>
    %dma_start3A_29 = arith.constant 0 : i32
    %dma_start3A_30 = arith.constant 0 : i32
    %dma_start3A_31 = tpu.memref_slice %arg2[%dma_start3A_29, %dma_start3A_30] : memref<1000000x64xf32, #tpu.memory_space<hbm>> -> memref<1000000x64xf32, #tpu.memory_space<hbm>>
    tpu.enqueue_indirect_dma source(%dma_start3A_31 : memref<1000000x64xf32, #tpu.memory_space<hbm>>) target(%dma_start3A_25 : memref<128x64xf32, #tpu.memory_space<vmem>>) offsets(%dma_start3A_28 : memref<128xi32, #tpu.memory_space<vmem>>) semaphore(%arg11 : memref<!tpu.dma_semaphore, #tpu.memory_space<semaphore_mem>>)
    %dma_start3A_32 = arith.constant 0 : i32
    %dma_start3A_33 = arith.constant 128 : i32
    %dma_start3A_34 = arith.constant 0 : i32
    %dma_start3A_35 = tpu.memref_slice %arg7[%dma_start3A_33, %dma_start3A_34] : memref<256x64xf32, #tpu.memory_space<vmem>> -> memref<128x64xf32, #tpu.memory_space<vmem>>
    %dma_start3A_36 = arith.constant 384 : i32
    %dma_start3A_37 = tpu.memref_slice %arg5[%dma_start3A_32, %dma_start3A_36] : memref<50x512xi32, #tpu.memory_space<vmem>> -> memref<1x128xi32, #tpu.memory_space<vmem>>
    %dma_start3A_38 = tpu.memref_squeeze %dma_start3A_37 : memref<1x128xi32, #tpu.memory_space<vmem>> -> memref<128xi32, #tpu.memory_space<vmem>>
    %dma_start3A_39 = arith.constant 0 : i32
    %dma_start3A_40 = arith.constant 0 : i32
    %dma_start3A_41 = tpu.memref_slice %arg2[%dma_start3A_39, %dma_start3A_40] : memref<1000000x64xf32, #tpu.memory_space<hbm>> -> memref<1000000x64xf32, #tpu.memory_space<hbm>>
    tpu.enqueue_indirect_dma source(%dma_start3A_41 : memref<1000000x64xf32, #tpu.memory_space<hbm>>) target(%dma_start3A_35 : memref<128x64xf32, #tpu.memory_space<vmem>>) offsets(%dma_start3A_38 : memref<128xi32, #tpu.memory_space<vmem>>) semaphore(%arg11 : memref<!tpu.dma_semaphore, #tpu.memory_space<semaphore_mem>>)
    %dma_start3A_42 = arith.constant 1 : i32
    %dma_start3A_43 = arith.constant 0 : i32
    %dma_start3A_44 = arith.constant 0 : i32
    %dma_start3A_45 = tpu.memref_slice %arg8[%dma_start3A_43, %dma_start3A_44] : memref<256x64xf32, #tpu.memory_space<vmem>> -> memref<128x64xf32, #tpu.memory_space<vmem>>
    %dma_start3A_46 = arith.constant 0 : i32
    %dma_start3A_47 = tpu.memref_slice %arg5[%dma_start3A_42, %dma_start3A_46] : memref<50x512xi32, #tpu.memory_space<vmem>> -> memref<1x128xi32, #tpu.memory_space<vmem>>
    %dma_start3A_48 = tpu.memref_squeeze %dma_start3A_47 : memref<1x128xi32, #tpu.memory_space<vmem>> -> memref<128xi32, #tpu.memory_space<vmem>>
    %dma_start3A_49 = arith.constant 0 : i32
    %dma_start3A_50 = arith.constant 0 : i32
    %dma_start3A_51 = tpu.memref_slice %arg2[%dma_start3A_49, %dma_start3A_50] : memref<1000000x64xf32, #tpu.memory_space<hbm>> -> memref<1000000x64xf32, #tpu.memory_space<hbm>>
    tpu.enqueue_indirect_dma source(%dma_start3A_51 : memref<1000000x64xf32, #tpu.memory_space<hbm>>) target(%dma_start3A_45 : memref<128x64xf32, #tpu.memory_space<vmem>>) offsets(%dma_start3A_48 : memref<128xi32, #tpu.memory_space<vmem>>) semaphore(%arg12 : memref<!tpu.dma_semaphore, #tpu.memory_space<semaphore_mem>>)
    %dma_start3A_52 = arith.constant 1 : i32
    %dma_start3A_53 = arith.constant 128 : i32
    %dma_start3A_54 = arith.constant 0 : i32
    %dma_start3A_55 = tpu.memref_slice %arg8[%dma_start3A_53, %dma_start3A_54] : memref<256x64xf32, #tpu.memory_space<vmem>> -> memref<128x64xf32, #tpu.memory_space<vmem>>
    %dma_start3A_56 = arith.constant 128 : i32
    %dma_start3A_57 = tpu.memref_slice %arg5[%dma_start3A_52, %dma_start3A_56] : memref<50x512xi32, #tpu.memory_space<vmem>> -> memref<1x128xi32, #tpu.memory_space<vmem>>
    %dma_start3A_58 = tpu.memref_squeeze %dma_start3A_57 : memref<1x128xi32, #tpu.memory_space<vmem>> -> memref<128xi32, #tpu.memory_space<vmem>>
    %dma_start3A_59 = arith.constant 0 : i32
    %dma_start3A_60 = arith.constant 0 : i32
    %dma_start3A_61 = tpu.memref_slice %arg2[%dma_start3A_59, %dma_start3A_60] : memref<1000000x64xf32, #tpu.memory_space<hbm>> -> memref<1000000x64xf32, #tpu.memory_space<hbm>>
    tpu.enqueue_indirect_dma source(%dma_start3A_61 : memref<1000000x64xf32, #tpu.memory_space<hbm>>) target(%dma_start3A_55 : memref<128x64xf32, #tpu.memory_space<vmem>>) offsets(%dma_start3A_58 : memref<128xi32, #tpu.memory_space<vmem>>) semaphore(%arg12 : memref<!tpu.dma_semaphore, #tpu.memory_space<semaphore_mem>>)
    %dma_start3A_62 = arith.constant 1 : i32
    %dma_start3A_63 = arith.constant 0 : i32
    %dma_start3A_64 = arith.constant 0 : i32
    %dma_start3A_65 = tpu.memref_slice %arg9[%dma_start3A_63, %dma_start3A_64] : memref<256x64xf32, #tpu.memory_space<vmem>> -> memref<128x64xf32, #tpu.memory_space<vmem>>
    %dma_start3A_66 = arith.constant 256 : i32
    %dma_start3A_67 = tpu.memref_slice %arg5[%dma_start3A_62, %dma_start3A_66] : memref<50x512xi32, #tpu.memory_space<vmem>> -> memref<1x128xi32, #tpu.memory_space<vmem>>
    %dma_start3A_68 = tpu.memref_squeeze %dma_start3A_67 : memref<1x128xi32, #tpu.memory_space<vmem>> -> memref<128xi32, #tpu.memory_space<vmem>>
    %dma_start3A_69 = arith.constant 0 : i32
    %dma_start3A_70 = arith.constant 0 : i32
    %dma_start3A_71 = tpu.memref_slice %arg2[%dma_start3A_69, %dma_start3A_70] : memref<1000000x64xf32, #tpu.memory_space<hbm>> -> memref<1000000x64xf32, #tpu.memory_space<hbm>>
    tpu.enqueue_indirect_dma source(%dma_start3A_71 : memref<1000000x64xf32, #tpu.memory_space<hbm>>) target(%dma_start3A_65 : memref<128x64xf32, #tpu.memory_space<vmem>>) offsets(%dma_start3A_68 : memref<128xi32, #tpu.memory_space<vmem>>) semaphore(%arg13 : memref<!tpu.dma_semaphore, #tpu.memory_space<semaphore_mem>>)
    %dma_start3A_72 = arith.constant 1 : i32
    %dma_start3A_73 = arith.constant 128 : i32
    %dma_start3A_74 = arith.constant 0 : i32
    %dma_start3A_75 = tpu.memref_slice %arg9[%dma_start3A_73, %dma_start3A_74] : memref<256x64xf32, #tpu.memory_space<vmem>> -> memref<128x64xf32, #tpu.memory_space<vmem>>
    %dma_start3A_76 = arith.constant 384 : i32
    %dma_start3A_77 = tpu.memref_slice %arg5[%dma_start3A_72, %dma_start3A_76] : memref<50x512xi32, #tpu.memory_space<vmem>> -> memref<1x128xi32, #tpu.memory_space<vmem>>
    %dma_start3A_78 = tpu.memref_squeeze %dma_start3A_77 : memref<1x128xi32, #tpu.memory_space<vmem>> -> memref<128xi32, #tpu.memory_space<vmem>>
    %dma_start3A_79 = arith.constant 0 : i32
    %dma_start3A_80 = arith.constant 0 : i32
    %dma_start3A_81 = tpu.memref_slice %arg2[%dma_start3A_79, %dma_start3A_80] : memref<1000000x64xf32, #tpu.memory_space<hbm>> -> memref<1000000x64xf32, #tpu.memory_space<hbm>>
    tpu.enqueue_indirect_dma source(%dma_start3A_81 : memref<1000000x64xf32, #tpu.memory_space<hbm>>) target(%dma_start3A_75 : memref<128x64xf32, #tpu.memory_space<vmem>>) offsets(%dma_start3A_78 : memref<128xi32, #tpu.memory_space<vmem>>) semaphore(%arg13 : memref<!tpu.dma_semaphore, #tpu.memory_space<semaphore_mem>>)
    %scan3A = arith.constant 0 : i32
    %scan3A_82 = arith.constant 25 : i32
    %scan3A_83 = arith.addi %scan3A, %scan3A_82 : i32
    %scan3A_84 = arith.constant 1 : i32
    scf.for %scan3A_113 = %scan3A to %scan3A_83 step %scan3A_84  : i32 {
      %mul3A_114 = arith.constant 4 : i32
      %mul3A_115 = arith.muli %scan3A_113, %mul3A_114 : i32
      %add3A_116 = arith.constant 0 : i32
      %add3A_117 = arith.addi %add3A_116, %mul3A_115 : i32
      %add3A_118 = arith.constant 0 : i32
      %add3A_119 = arith.addi %add3A_117, %add3A_118 : i32
      %dma_wait3A_120 = arith.constant 0 : i32
      %dma_wait3A_121 = arith.constant 0 : i32
      %dma_wait3A_122 = tpu.memref_slice %arg2[%dma_wait3A_120, %dma_wait3A_121] : memref<1000000x64xf32, #tpu.memory_space<hbm>> -> memref<256x64xf32, #tpu.memory_space<hbm>>
      %dma_wait3A_123 = arith.constant 0 : i32
      %dma_wait3A_124 = arith.constant 0 : i32
      %dma_wait3A_125 = tpu.memref_slice %arg2[%dma_wait3A_123, %dma_wait3A_124] : memref<1000000x64xf32, #tpu.memory_space<hbm>> -> memref<256x64xf32, #tpu.memory_space<hbm>>
      tpu.wait_dma2 semaphore(%arg10 : memref<!tpu.dma_semaphore, #tpu.memory_space<semaphore_mem>>) src(%dma_wait3A_125 : memref<256x64xf32, #tpu.memory_space<hbm>>) dst(%arg6 : memref<256x64xf32, #tpu.memory_space<vmem>>)
      %jit3A = arith.constant 2 : i32
      %div3A = arith.divsi %add3A_119, %jit3A : i32
      %sign3A = arith.constant 0 : i32
      %sign3A_126 = arith.cmpi sgt, %add3A_119, %sign3A : i32
      %sign3A_127 = arith.extui %sign3A_126 : i1 to i32
      %sign3A_128 = arith.constant 0 : i32
      %sign3A_129 = arith.cmpi slt, %add3A_119, %sign3A_128 : i32
      %sign3A_130 = arith.extui %sign3A_129 : i1 to i32
      %sign3A_131 = arith.subi %sign3A_127, %sign3A_130 : i32
      %sign3A_132 = arith.constant 0 : i32
      %sign3A_133 = arith.cmpi sgt, %jit3A, %sign3A_132 : i32
      %sign3A_134 = arith.extui %sign3A_133 : i1 to i32
      %sign3A_135 = arith.constant 0 : i32
      %sign3A_136 = arith.cmpi slt, %jit3A, %sign3A_135 : i32
      %sign3A_137 = arith.extui %sign3A_136 : i1 to i32
      %sign3A_138 = arith.subi %sign3A_134, %sign3A_137 : i32
      %ne3A = arith.cmpi ne, %sign3A_131, %sign3A_138 : i32
      %rem3A = arith.remsi %add3A_119, %jit3A : i32
      %ne3A_139 = arith.constant 0 : i32
      %ne3A_140 = arith.cmpi ne, %rem3A, %ne3A_139 : i32
      %and3A = arith.andi %ne3A, %ne3A_140 : i1
      %sub3A = arith.constant 1 : i32
      %sub3A_141 = arith.subi %div3A, %sub3A : i32
      %select_n3A = arith.select %and3A, %sub3A_141, %div3A : i32
      %mul3A_142 = arith.constant 2 : i32
      %mul3A_143 = arith.muli %select_n3A, %mul3A_142 : i32
      %sub3A_144 = arith.subi %add3A_119, %mul3A_143 : i32
      %mul3A_145 = arith.constant 256 : i32
      %mul3A_146 = arith.muli %sub3A_144, %mul3A_145 : i32
      %add3A_147 = arith.addi %mul3A_2, %mul3A_146 : i32
      %dma_start3A_148 = arith.constant 0 : i32
      %dma_start3A_149 = tpu.memref_slice %arg4[%add3A_147, %select_n3A, %dma_start3A_148] : memref<16384x56x128xf32, #tpu.memory_space<hbm>> -> memref<256x1x64xf32, #tpu.memory_space<hbm>>
      %dma_start3A_150 = tpu.memref_squeeze %dma_start3A_149 : memref<256x1x64xf32, #tpu.memory_space<hbm>> -> memref<256x64xf32, #tpu.memory_space<hbm>>
      %dma_start3A_151 = arith.constant 0 : i32
      %dma_start3A_152 = tpu.memref_slice %arg4[%add3A_147, %select_n3A, %dma_start3A_151] : memref<16384x56x128xf32, #tpu.memory_space<hbm>> -> memref<256x1x64xf32, #tpu.memory_space<hbm>>
      %dma_start3A_153 = tpu.memref_squeeze %dma_start3A_152 : memref<256x1x64xf32, #tpu.memory_space<hbm>> -> memref<256x64xf32, #tpu.memory_space<hbm>>
      tpu.enqueue_dma source(%arg6 : memref<256x64xf32, #tpu.memory_space<vmem>>) target(%dma_start3A_153 : memref<256x64xf32, #tpu.memory_space<hbm>>) target_semaphore(%arg14 : memref<!tpu.dma_semaphore, #tpu.memory_space<semaphore_mem>>)
      %add3A_154 = arith.constant 4 : i32
      %add3A_155 = arith.addi %add3A_119, %add3A_154 : i32
      %lt3A = arith.constant 100 : i32
      %lt3A_156 = arith.cmpi slt, %add3A_155, %lt3A : i32
      %convert_element_type3A = arith.extui %lt3A_156 : i1 to i32
      %cond3A = arith.constant 0 : i32
      %cond3A_157 = arith.cmpi ne, %convert_element_type3A, %cond3A : i32
      scf.if %cond3A_157 {
        %dma_wait3A_311 = arith.constant 0 : i32
        %dma_wait3A_312 = arith.constant 0 : i32
        %dma_wait3A_313 = tpu.memref_slice %arg4[%mul3A_2, %dma_wait3A_311, %dma_wait3A_312] : memref<16384x56x128xf32, #tpu.memory_space<hbm>> -> memref<256x1x64xf32, #tpu.memory_space<hbm>>
        %dma_wait3A_314 = tpu.memref_squeeze %dma_wait3A_313 : memref<256x1x64xf32, #tpu.memory_space<hbm>> -> memref<256x64xf32, #tpu.memory_space<hbm>>
        %dma_wait3A_315 = arith.constant 0 : i32
        %dma_wait3A_316 = tpu.memref_slice %arg4[%mul3A_2, %dma_wait3A_311, %dma_wait3A_315] : memref<16384x56x128xf32, #tpu.memory_space<hbm>> -> memref<256x1x64xf32, #tpu.memory_space<hbm>>
        %dma_wait3A_317 = tpu.memref_squeeze %dma_wait3A_316 : memref<256x1x64xf32, #tpu.memory_space<hbm>> -> memref<256x64xf32, #tpu.memory_space<hbm>>
        tpu.wait_dma2 semaphore(%arg14 : memref<!tpu.dma_semaphore, #tpu.memory_space<semaphore_mem>>) src(%arg6 : memref<256x64xf32, #tpu.memory_space<vmem>>) dst(%dma_wait3A_317 : memref<256x64xf32, #tpu.memory_space<hbm>>)
        %jit3A_318 = arith.constant 2 : i32
        %div3A_319 = arith.divsi %add3A_155, %jit3A_318 : i32
        %sign3A_320 = arith.constant 0 : i32
        %sign3A_321 = arith.cmpi sgt, %add3A_155, %sign3A_320 : i32
        %sign3A_322 = arith.extui %sign3A_321 : i1 to i32
        %sign3A_323 = arith.constant 0 : i32
        %sign3A_324 = arith.cmpi slt, %add3A_155, %sign3A_323 : i32
        %sign3A_325 = arith.extui %sign3A_324 : i1 to i32
        %sign3A_326 = arith.subi %sign3A_322, %sign3A_325 : i32
        %sign3A_327 = arith.constant 0 : i32
        %sign3A_328 = arith.cmpi sgt, %jit3A_318, %sign3A_327 : i32
        %sign3A_329 = arith.extui %sign3A_328 : i1 to i32
        %sign3A_330 = arith.constant 0 : i32
        %sign3A_331 = arith.cmpi slt, %jit3A_318, %sign3A_330 : i32
        %sign3A_332 = arith.extui %sign3A_331 : i1 to i32
        %sign3A_333 = arith.subi %sign3A_329, %sign3A_332 : i32
        %ne3A_334 = arith.cmpi ne, %sign3A_326, %sign3A_333 : i32
        %rem3A_335 = arith.remsi %add3A_155, %jit3A_318 : i32
        %ne3A_336 = arith.constant 0 : i32
        %ne3A_337 = arith.cmpi ne, %rem3A_335, %ne3A_336 : i32
        %and3A_338 = arith.andi %ne3A_334, %ne3A_337 : i1
        %sub3A_339 = arith.constant 1 : i32
        %sub3A_340 = arith.subi %div3A_319, %sub3A_339 : i32
        %select_n3A_341 = arith.select %and3A_338, %sub3A_340, %div3A_319 : i32
        %mul3A_342 = arith.constant 2 : i32
        %mul3A_343 = arith.muli %select_n3A_341, %mul3A_342 : i32
        %sub3A_344 = arith.subi %add3A_155, %mul3A_343 : i32
        %mul3A_345 = arith.constant 256 : i32
        %mul3A_346 = arith.muli %sub3A_344, %mul3A_345 : i32
        %add3A_347 = arith.constant 0 : i32
        %add3A_348 = arith.addi %mul3A_346, %add3A_347 : i32
        %dma_start3A_349 = arith.constant 0 : i32
        %dma_start3A_350 = arith.constant 0 : i32
        %dma_start3A_351 = tpu.memref_slice %arg6[%dma_start3A_349, %dma_start3A_350] : memref<256x64xf32, #tpu.memory_space<vmem>> -> memref<128x64xf32, #tpu.memory_space<vmem>>
        %dma_start3A_352 = tpu.memref_slice %arg5[%select_n3A_341, %add3A_348] : memref<50x512xi32, #tpu.memory_space<vmem>> -> memref<1x128xi32, #tpu.memory_space<vmem>>
        %dma_start3A_353 = tpu.memref_squeeze %dma_start3A_352 : memref<1x128xi32, #tpu.memory_space<vmem>> -> memref<128xi32, #tpu.memory_space<vmem>>
        %dma_start3A_354 = arith.constant 0 : i32
        %dma_start3A_355 = arith.constant 0 : i32
        %dma_start3A_356 = tpu.memref_slice %arg2[%dma_start3A_354, %dma_start3A_355] : memref<1000000x64xf32, #tpu.memory_space<hbm>> -> memref<1000000x64xf32, #tpu.memory_space<hbm>>
        tpu.enqueue_indirect_dma source(%dma_start3A_356 : memref<1000000x64xf32, #tpu.memory_space<hbm>>) target(%dma_start3A_351 : memref<128x64xf32, #tpu.memory_space<vmem>>) offsets(%dma_start3A_353 : memref<128xi32, #tpu.memory_space<vmem>>) semaphore(%arg10 : memref<!tpu.dma_semaphore, #tpu.memory_space<semaphore_mem>>)
        %mul3A_357 = arith.constant 256 : i32
        %mul3A_358 = arith.muli %sub3A_344, %mul3A_357 : i32
        %add3A_359 = arith.constant 128 : i32
        %add3A_360 = arith.addi %mul3A_358, %add3A_359 : i32
        %dma_start3A_361 = arith.constant 128 : i32
        %dma_start3A_362 = arith.constant 0 : i32
        %dma_start3A_363 = tpu.memref_slice %arg6[%dma_start3A_361, %dma_start3A_362] : memref<256x64xf32, #tpu.memory_space<vmem>> -> memref<128x64xf32, #tpu.memory_space<vmem>>
        %dma_start3A_364 = tpu.memref_slice %arg5[%select_n3A_341, %add3A_360] : memref<50x512xi32, #tpu.memory_space<vmem>> -> memref<1x128xi32, #tpu.memory_space<vmem>>
        %dma_start3A_365 = tpu.memref_squeeze %dma_start3A_364 : memref<1x128xi32, #tpu.memory_space<vmem>> -> memref<128xi32, #tpu.memory_space<vmem>>
        %dma_start3A_366 = arith.constant 0 : i32
        %dma_start3A_367 = arith.constant 0 : i32
        %dma_start3A_368 = tpu.memref_slice %arg2[%dma_start3A_366, %dma_start3A_367] : memref<1000000x64xf32, #tpu.memory_space<hbm>> -> memref<1000000x64xf32, #tpu.memory_space<hbm>>
        tpu.enqueue_indirect_dma source(%dma_start3A_368 : memref<1000000x64xf32, #tpu.memory_space<hbm>>) target(%dma_start3A_363 : memref<128x64xf32, #tpu.memory_space<vmem>>) offsets(%dma_start3A_365 : memref<128xi32, #tpu.memory_space<vmem>>) semaphore(%arg10 : memref<!tpu.dma_semaphore, #tpu.memory_space<semaphore_mem>>)
      } else {
      }
      %add3A_158 = arith.constant 1 : i32
      %add3A_159 = arith.addi %add3A_117, %add3A_158 : i32
      %dma_wait3A_160 = arith.constant 0 : i32
      %dma_wait3A_161 = arith.constant 0 : i32
      %dma_wait3A_162 = tpu.memref_slice %arg2[%dma_wait3A_160, %dma_wait3A_161] : memref<1000000x64xf32, #tpu.memory_space<hbm>> -> memref<256x64xf32, #tpu.memory_space<hbm>>
      %dma_wait3A_163 = arith.constant 0 : i32
      %dma_wait3A_164 = arith.constant 0 : i32
      %dma_wait3A_165 = tpu.memref_slice %arg2[%dma_wait3A_163, %dma_wait3A_164] : memref<1000000x64xf32, #tpu.memory_space<hbm>> -> memref<256x64xf32, #tpu.memory_space<hbm>>
      tpu.wait_dma2 semaphore(%arg11 : memref<!tpu.dma_semaphore, #tpu.memory_space<semaphore_mem>>) src(%dma_wait3A_165 : memref<256x64xf32, #tpu.memory_space<hbm>>) dst(%arg7 : memref<256x64xf32, #tpu.memory_space<vmem>>)
      %jit3A_166 = arith.constant 2 : i32
      %div3A_167 = arith.divsi %add3A_159, %jit3A_166 : i32
      %sign3A_168 = arith.constant 0 : i32
      %sign3A_169 = arith.cmpi sgt, %add3A_159, %sign3A_168 : i32
      %sign3A_170 = arith.extui %sign3A_169 : i1 to i32
      %sign3A_171 = arith.constant 0 : i32
      %sign3A_172 = arith.cmpi slt, %add3A_159, %sign3A_171 : i32
      %sign3A_173 = arith.extui %sign3A_172 : i1 to i32
      %sign3A_174 = arith.subi %sign3A_170, %sign3A_173 : i32
      %sign3A_175 = arith.constant 0 : i32
      %sign3A_176 = arith.cmpi sgt, %jit3A_166, %sign3A_175 : i32
      %sign3A_177 = arith.extui %sign3A_176 : i1 to i32
      %sign3A_178 = arith.constant 0 : i32
      %sign3A_179 = arith.cmpi slt, %jit3A_166, %sign3A_178 : i32
      %sign3A_180 = arith.extui %sign3A_179 : i1 to i32
      %sign3A_181 = arith.subi %sign3A_177, %sign3A_180 : i32
      %ne3A_182 = arith.cmpi ne, %sign3A_174, %sign3A_181 : i32
      %rem3A_183 = arith.remsi %add3A_159, %jit3A_166 : i32
      %ne3A_184 = arith.constant 0 : i32
      %ne3A_185 = arith.cmpi ne, %rem3A_183, %ne3A_184 : i32
      %and3A_186 = arith.andi %ne3A_182, %ne3A_185 : i1
      %sub3A_187 = arith.constant 1 : i32
      %sub3A_188 = arith.subi %div3A_167, %sub3A_187 : i32
      %select_n3A_189 = arith.select %and3A_186, %sub3A_188, %div3A_167 : i32
      %mul3A_190 = arith.constant 2 : i32
      %mul3A_191 = arith.muli %select_n3A_189, %mul3A_190 : i32
      %sub3A_192 = arith.subi %add3A_159, %mul3A_191 : i32
      %mul3A_193 = arith.constant 256 : i32
      %mul3A_194 = arith.muli %sub3A_192, %mul3A_193 : i32
      %add3A_195 = arith.addi %mul3A_2, %mul3A_194 : i32
      %dma_start3A_196 = arith.constant 0 : i32
      %dma_start3A_197 = tpu.memref_slice %arg4[%add3A_195, %select_n3A_189, %dma_start3A_196] : memref<16384x56x128xf32, #tpu.memory_space<hbm>> -> memref<256x1x64xf32, #tpu.memory_space<hbm>>
      %dma_start3A_198 = tpu.memref_squeeze %dma_start3A_197 : memref<256x1x64xf32, #tpu.memory_space<hbm>> -> memref<256x64xf32, #tpu.memory_space<hbm>>
      %dma_start3A_199 = arith.constant 0 : i32
      %dma_start3A_200 = tpu.memref_slice %arg4[%add3A_195, %select_n3A_189, %dma_start3A_199] : memref<16384x56x128xf32, #tpu.memory_space<hbm>> -> memref<256x1x64xf32, #tpu.memory_space<hbm>>
      %dma_start3A_201 = tpu.memref_squeeze %dma_start3A_200 : memref<256x1x64xf32, #tpu.memory_space<hbm>> -> memref<256x64xf32, #tpu.memory_space<hbm>>
      tpu.enqueue_dma source(%arg7 : memref<256x64xf32, #tpu.memory_space<vmem>>) target(%dma_start3A_201 : memref<256x64xf32, #tpu.memory_space<hbm>>) target_semaphore(%arg15 : memref<!tpu.dma_semaphore, #tpu.memory_space<semaphore_mem>>)
      %add3A_202 = arith.constant 4 : i32
      %add3A_203 = arith.addi %add3A_159, %add3A_202 : i32
      %lt3A_204 = arith.constant 100 : i32
      %lt3A_205 = arith.cmpi slt, %add3A_203, %lt3A_204 : i32
      %convert_element_type3A_206 = arith.extui %lt3A_205 : i1 to i32
      %cond3A_207 = arith.constant 0 : i32
      %cond3A_208 = arith.cmpi ne, %convert_element_type3A_206, %cond3A_207 : i32
      scf.if %cond3A_208 {
        %dma_wait3A_311 = arith.constant 0 : i32
        %dma_wait3A_312 = arith.constant 0 : i32
        %dma_wait3A_313 = tpu.memref_slice %arg4[%mul3A_2, %dma_wait3A_311, %dma_wait3A_312] : memref<16384x56x128xf32, #tpu.memory_space<hbm>> -> memref<256x1x64xf32, #tpu.memory_space<hbm>>
        %dma_wait3A_314 = tpu.memref_squeeze %dma_wait3A_313 : memref<256x1x64xf32, #tpu.memory_space<hbm>> -> memref<256x64xf32, #tpu.memory_space<hbm>>
        %dma_wait3A_315 = arith.constant 0 : i32
        %dma_wait3A_316 = tpu.memref_slice %arg4[%mul3A_2, %dma_wait3A_311, %dma_wait3A_315] : memref<16384x56x128xf32, #tpu.memory_space<hbm>> -> memref<256x1x64xf32, #tpu.memory_space<hbm>>
        %dma_wait3A_317 = tpu.memref_squeeze %dma_wait3A_316 : memref<256x1x64xf32, #tpu.memory_space<hbm>> -> memref<256x64xf32, #tpu.memory_space<hbm>>
        tpu.wait_dma2 semaphore(%arg15 : memref<!tpu.dma_semaphore, #tpu.memory_space<semaphore_mem>>) src(%arg7 : memref<256x64xf32, #tpu.memory_space<vmem>>) dst(%dma_wait3A_317 : memref<256x64xf32, #tpu.memory_space<hbm>>)
        %jit3A_318 = arith.constant 2 : i32
        %div3A_319 = arith.divsi %add3A_203, %jit3A_318 : i32
        %sign3A_320 = arith.constant 0 : i32
        %sign3A_321 = arith.cmpi sgt, %add3A_203, %sign3A_320 : i32
        %sign3A_322 = arith.extui %sign3A_321 : i1 to i32
        %sign3A_323 = arith.constant 0 : i32
        %sign3A_324 = arith.cmpi slt, %add3A_203, %sign3A_323 : i32
        %sign3A_325 = arith.extui %sign3A_324 : i1 to i32
        %sign3A_326 = arith.subi %sign3A_322, %sign3A_325 : i32
        %sign3A_327 = arith.constant 0 : i32
        %sign3A_328 = arith.cmpi sgt, %jit3A_318, %sign3A_327 : i32
        %sign3A_329 = arith.extui %sign3A_328 : i1 to i32
        %sign3A_330 = arith.constant 0 : i32
        %sign3A_331 = arith.cmpi slt, %jit3A_318, %sign3A_330 : i32
        %sign3A_332 = arith.extui %sign3A_331 : i1 to i32
        %sign3A_333 = arith.subi %sign3A_329, %sign3A_332 : i32
        %ne3A_334 = arith.cmpi ne, %sign3A_326, %sign3A_333 : i32
        %rem3A_335 = arith.remsi %add3A_203, %jit3A_318 : i32
        %ne3A_336 = arith.constant 0 : i32
        %ne3A_337 = arith.cmpi ne, %rem3A_335, %ne3A_336 : i32
        %and3A_338 = arith.andi %ne3A_334, %ne3A_337 : i1
        %sub3A_339 = arith.constant 1 : i32
        %sub3A_340 = arith.subi %div3A_319, %sub3A_339 : i32
        %select_n3A_341 = arith.select %and3A_338, %sub3A_340, %div3A_319 : i32
        %mul3A_342 = arith.constant 2 : i32
        %mul3A_343 = arith.muli %select_n3A_341, %mul3A_342 : i32
        %sub3A_344 = arith.subi %add3A_203, %mul3A_343 : i32
        %mul3A_345 = arith.constant 256 : i32
        %mul3A_346 = arith.muli %sub3A_344, %mul3A_345 : i32
        %add3A_347 = arith.constant 0 : i32
        %add3A_348 = arith.addi %mul3A_346, %add3A_347 : i32
        %dma_start3A_349 = arith.constant 0 : i32
        %dma_start3A_350 = arith.constant 0 : i32
        %dma_start3A_351 = tpu.memref_slice %arg7[%dma_start3A_349, %dma_start3A_350] : memref<256x64xf32, #tpu.memory_space<vmem>> -> memref<128x64xf32, #tpu.memory_space<vmem>>
        %dma_start3A_352 = tpu.memref_slice %arg5[%select_n3A_341, %add3A_348] : memref<50x512xi32, #tpu.memory_space<vmem>> -> memref<1x128xi32, #tpu.memory_space<vmem>>
        %dma_start3A_353 = tpu.memref_squeeze %dma_start3A_352 : memref<1x128xi32, #tpu.memory_space<vmem>> -> memref<128xi32, #tpu.memory_space<vmem>>
        %dma_start3A_354 = arith.constant 0 : i32
        %dma_start3A_355 = arith.constant 0 : i32
        %dma_start3A_356 = tpu.memref_slice %arg2[%dma_start3A_354, %dma_start3A_355] : memref<1000000x64xf32, #tpu.memory_space<hbm>> -> memref<1000000x64xf32, #tpu.memory_space<hbm>>
        tpu.enqueue_indirect_dma source(%dma_start3A_356 : memref<1000000x64xf32, #tpu.memory_space<hbm>>) target(%dma_start3A_351 : memref<128x64xf32, #tpu.memory_space<vmem>>) offsets(%dma_start3A_353 : memref<128xi32, #tpu.memory_space<vmem>>) semaphore(%arg11 : memref<!tpu.dma_semaphore, #tpu.memory_space<semaphore_mem>>)
        %mul3A_357 = arith.constant 256 : i32
        %mul3A_358 = arith.muli %sub3A_344, %mul3A_357 : i32
        %add3A_359 = arith.constant 128 : i32
        %add3A_360 = arith.addi %mul3A_358, %add3A_359 : i32
        %dma_start3A_361 = arith.constant 128 : i32
        %dma_start3A_362 = arith.constant 0 : i32
        %dma_start3A_363 = tpu.memref_slice %arg7[%dma_start3A_361, %dma_start3A_362] : memref<256x64xf32, #tpu.memory_space<vmem>> -> memref<128x64xf32, #tpu.memory_space<vmem>>
        %dma_start3A_364 = tpu.memref_slice %arg5[%select_n3A_341, %add3A_360] : memref<50x512xi32, #tpu.memory_space<vmem>> -> memref<1x128xi32, #tpu.memory_space<vmem>>
        %dma_start3A_365 = tpu.memref_squeeze %dma_start3A_364 : memref<1x128xi32, #tpu.memory_space<vmem>> -> memref<128xi32, #tpu.memory_space<vmem>>
        %dma_start3A_366 = arith.constant 0 : i32
        %dma_start3A_367 = arith.constant 0 : i32
        %dma_start3A_368 = tpu.memref_slice %arg2[%dma_start3A_366, %dma_start3A_367] : memref<1000000x64xf32, #tpu.memory_space<hbm>> -> memref<1000000x64xf32, #tpu.memory_space<hbm>>
        tpu.enqueue_indirect_dma source(%dma_start3A_368 : memref<1000000x64xf32, #tpu.memory_space<hbm>>) target(%dma_start3A_363 : memref<128x64xf32, #tpu.memory_space<vmem>>) offsets(%dma_start3A_365 : memref<128xi32, #tpu.memory_space<vmem>>) semaphore(%arg11 : memref<!tpu.dma_semaphore, #tpu.memory_space<semaphore_mem>>)
      } else {
      }
      %add3A_209 = arith.constant 2 : i32
      %add3A_210 = arith.addi %add3A_117, %add3A_209 : i32
      %dma_wait3A_211 = arith.constant 0 : i32
      %dma_wait3A_212 = arith.constant 0 : i32
      %dma_wait3A_213 = tpu.memref_slice %arg2[%dma_wait3A_211, %dma_wait3A_212] : memref<1000000x64xf32, #tpu.memory_space<hbm>> -> memref<256x64xf32, #tpu.memory_space<hbm>>
      %dma_wait3A_214 = arith.constant 0 : i32
      %dma_wait3A_215 = arith.constant 0 : i32
      %dma_wait3A_216 = tpu.memref_slice %arg2[%dma_wait3A_214, %dma_wait3A_215] : memref<1000000x64xf32, #tpu.memory_space<hbm>> -> memref<256x64xf32, #tpu.memory_space<hbm>>
      tpu.wait_dma2 semaphore(%arg12 : memref<!tpu.dma_semaphore, #tpu.memory_space<semaphore_mem>>) src(%dma_wait3A_216 : memref<256x64xf32, #tpu.memory_space<hbm>>) dst(%arg8 : memref<256x64xf32, #tpu.memory_space<vmem>>)
      %jit3A_217 = arith.constant 2 : i32
      %div3A_218 = arith.divsi %add3A_210, %jit3A_217 : i32
      %sign3A_219 = arith.constant 0 : i32
      %sign3A_220 = arith.cmpi sgt, %add3A_210, %sign3A_219 : i32
      %sign3A_221 = arith.extui %sign3A_220 : i1 to i32
      %sign3A_222 = arith.constant 0 : i32
      %sign3A_223 = arith.cmpi slt, %add3A_210, %sign3A_222 : i32
      %sign3A_224 = arith.extui %sign3A_223 : i1 to i32
      %sign3A_225 = arith.subi %sign3A_221, %sign3A_224 : i32
      %sign3A_226 = arith.constant 0 : i32
      %sign3A_227 = arith.cmpi sgt, %jit3A_217, %sign3A_226 : i32
      %sign3A_228 = arith.extui %sign3A_227 : i1 to i32
      %sign3A_229 = arith.constant 0 : i32
      %sign3A_230 = arith.cmpi slt, %jit3A_217, %sign3A_229 : i32
      %sign3A_231 = arith.extui %sign3A_230 : i1 to i32
      %sign3A_232 = arith.subi %sign3A_228, %sign3A_231 : i32
      %ne3A_233 = arith.cmpi ne, %sign3A_225, %sign3A_232 : i32
      %rem3A_234 = arith.remsi %add3A_210, %jit3A_217 : i32
      %ne3A_235 = arith.constant 0 : i32
      %ne3A_236 = arith.cmpi ne, %rem3A_234, %ne3A_235 : i32
      %and3A_237 = arith.andi %ne3A_233, %ne3A_236 : i1
      %sub3A_238 = arith.constant 1 : i32
      %sub3A_239 = arith.subi %div3A_218, %sub3A_238 : i32
      %select_n3A_240 = arith.select %and3A_237, %sub3A_239, %div3A_218 : i32
      %mul3A_241 = arith.constant 2 : i32
      %mul3A_242 = arith.muli %select_n3A_240, %mul3A_241 : i32
      %sub3A_243 = arith.subi %add3A_210, %mul3A_242 : i32
      %mul3A_244 = arith.constant 256 : i32
      %mul3A_245 = arith.muli %sub3A_243, %mul3A_244 : i32
      %add3A_246 = arith.addi %mul3A_2, %mul3A_245 : i32
      %dma_start3A_247 = arith.constant 0 : i32
      %dma_start3A_248 = tpu.memref_slice %arg4[%add3A_246, %select_n3A_240, %dma_start3A_247] : memref<16384x56x128xf32, #tpu.memory_space<hbm>> -> memref<256x1x64xf32, #tpu.memory_space<hbm>>
      %dma_start3A_249 = tpu.memref_squeeze %dma_start3A_248 : memref<256x1x64xf32, #tpu.memory_space<hbm>> -> memref<256x64xf32, #tpu.memory_space<hbm>>
      %dma_start3A_250 = arith.constant 0 : i32
      %dma_start3A_251 = tpu.memref_slice %arg4[%add3A_246, %select_n3A_240, %dma_start3A_250] : memref<16384x56x128xf32, #tpu.memory_space<hbm>> -> memref<256x1x64xf32, #tpu.memory_space<hbm>>
      %dma_start3A_252 = tpu.memref_squeeze %dma_start3A_251 : memref<256x1x64xf32, #tpu.memory_space<hbm>> -> memref<256x64xf32, #tpu.memory_space<hbm>>
      tpu.enqueue_dma source(%arg8 : memref<256x64xf32, #tpu.memory_space<vmem>>) target(%dma_start3A_252 : memref<256x64xf32, #tpu.memory_space<hbm>>) target_semaphore(%arg16 : memref<!tpu.dma_semaphore, #tpu.memory_space<semaphore_mem>>)
      %add3A_253 = arith.constant 4 : i32
      %add3A_254 = arith.addi %add3A_210, %add3A_253 : i32
      %lt3A_255 = arith.constant 100 : i32
      %lt3A_256 = arith.cmpi slt, %add3A_254, %lt3A_255 : i32
      %convert_element_type3A_257 = arith.extui %lt3A_256 : i1 to i32
      %cond3A_258 = arith.constant 0 : i32
      %cond3A_259 = arith.cmpi ne, %convert_element_type3A_257, %cond3A_258 : i32
      scf.if %cond3A_259 {
        %dma_wait3A_311 = arith.constant 0 : i32
        %dma_wait3A_312 = arith.constant 0 : i32
        %dma_wait3A_313 = tpu.memref_slice %arg4[%mul3A_2, %dma_wait3A_311, %dma_wait3A_312] : memref<16384x56x128xf32, #tpu.memory_space<hbm>> -> memref<256x1x64xf32, #tpu.memory_space<hbm>>
        %dma_wait3A_314 = tpu.memref_squeeze %dma_wait3A_313 : memref<256x1x64xf32, #tpu.memory_space<hbm>> -> memref<256x64xf32, #tpu.memory_space<hbm>>
        %dma_wait3A_315 = arith.constant 0 : i32
        %dma_wait3A_316 = tpu.memref_slice %arg4[%mul3A_2, %dma_wait3A_311, %dma_wait3A_315] : memref<16384x56x128xf32, #tpu.memory_space<hbm>> -> memref<256x1x64xf32, #tpu.memory_space<hbm>>
        %dma_wait3A_317 = tpu.memref_squeeze %dma_wait3A_316 : memref<256x1x64xf32, #tpu.memory_space<hbm>> -> memref<256x64xf32, #tpu.memory_space<hbm>>
        tpu.wait_dma2 semaphore(%arg16 : memref<!tpu.dma_semaphore, #tpu.memory_space<semaphore_mem>>) src(%arg8 : memref<256x64xf32, #tpu.memory_space<vmem>>) dst(%dma_wait3A_317 : memref<256x64xf32, #tpu.memory_space<hbm>>)
        %jit3A_318 = arith.constant 2 : i32
        %div3A_319 = arith.divsi %add3A_254, %jit3A_318 : i32
        %sign3A_320 = arith.constant 0 : i32
        %sign3A_321 = arith.cmpi sgt, %add3A_254, %sign3A_320 : i32
        %sign3A_322 = arith.extui %sign3A_321 : i1 to i32
        %sign3A_323 = arith.constant 0 : i32
        %sign3A_324 = arith.cmpi slt, %add3A_254, %sign3A_323 : i32
        %sign3A_325 = arith.extui %sign3A_324 : i1 to i32
        %sign3A_326 = arith.subi %sign3A_322, %sign3A_325 : i32
        %sign3A_327 = arith.constant 0 : i32
        %sign3A_328 = arith.cmpi sgt, %jit3A_318, %sign3A_327 : i32
        %sign3A_329 = arith.extui %sign3A_328 : i1 to i32
        %sign3A_330 = arith.constant 0 : i32
        %sign3A_331 = arith.cmpi slt, %jit3A_318, %sign3A_330 : i32
        %sign3A_332 = arith.extui %sign3A_331 : i1 to i32
        %sign3A_333 = arith.subi %sign3A_329, %sign3A_332 : i32
        %ne3A_334 = arith.cmpi ne, %sign3A_326, %sign3A_333 : i32
        %rem3A_335 = arith.remsi %add3A_254, %jit3A_318 : i32
        %ne3A_336 = arith.constant 0 : i32
        %ne3A_337 = arith.cmpi ne, %rem3A_335, %ne3A_336 : i32
        %and3A_338 = arith.andi %ne3A_334, %ne3A_337 : i1
        %sub3A_339 = arith.constant 1 : i32
        %sub3A_340 = arith.subi %div3A_319, %sub3A_339 : i32
        %select_n3A_341 = arith.select %and3A_338, %sub3A_340, %div3A_319 : i32
        %mul3A_342 = arith.constant 2 : i32
        %mul3A_343 = arith.muli %select_n3A_341, %mul3A_342 : i32
        %sub3A_344 = arith.subi %add3A_254, %mul3A_343 : i32
        %mul3A_345 = arith.constant 256 : i32
        %mul3A_346 = arith.muli %sub3A_344, %mul3A_345 : i32
        %add3A_347 = arith.constant 0 : i32
        %add3A_348 = arith.addi %mul3A_346, %add3A_347 : i32
        %dma_start3A_349 = arith.constant 0 : i32
        %dma_start3A_350 = arith.constant 0 : i32
        %dma_start3A_351 = tpu.memref_slice %arg8[%dma_start3A_349, %dma_start3A_350] : memref<256x64xf32, #tpu.memory_space<vmem>> -> memref<128x64xf32, #tpu.memory_space<vmem>>
        %dma_start3A_352 = tpu.memref_slice %arg5[%select_n3A_341, %add3A_348] : memref<50x512xi32, #tpu.memory_space<vmem>> -> memref<1x128xi32, #tpu.memory_space<vmem>>
        %dma_start3A_353 = tpu.memref_squeeze %dma_start3A_352 : memref<1x128xi32, #tpu.memory_space<vmem>> -> memref<128xi32, #tpu.memory_space<vmem>>
        %dma_start3A_354 = arith.constant 0 : i32
        %dma_start3A_355 = arith.constant 0 : i32
        %dma_start3A_356 = tpu.memref_slice %arg2[%dma_start3A_354, %dma_start3A_355] : memref<1000000x64xf32, #tpu.memory_space<hbm>> -> memref<1000000x64xf32, #tpu.memory_space<hbm>>
        tpu.enqueue_indirect_dma source(%dma_start3A_356 : memref<1000000x64xf32, #tpu.memory_space<hbm>>) target(%dma_start3A_351 : memref<128x64xf32, #tpu.memory_space<vmem>>) offsets(%dma_start3A_353 : memref<128xi32, #tpu.memory_space<vmem>>) semaphore(%arg12 : memref<!tpu.dma_semaphore, #tpu.memory_space<semaphore_mem>>)
        %mul3A_357 = arith.constant 256 : i32
        %mul3A_358 = arith.muli %sub3A_344, %mul3A_357 : i32
        %add3A_359 = arith.constant 128 : i32
        %add3A_360 = arith.addi %mul3A_358, %add3A_359 : i32
        %dma_start3A_361 = arith.constant 128 : i32
        %dma_start3A_362 = arith.constant 0 : i32
        %dma_start3A_363 = tpu.memref_slice %arg8[%dma_start3A_361, %dma_start3A_362] : memref<256x64xf32, #tpu.memory_space<vmem>> -> memref<128x64xf32, #tpu.memory_space<vmem>>
        %dma_start3A_364 = tpu.memref_slice %arg5[%select_n3A_341, %add3A_360] : memref<50x512xi32, #tpu.memory_space<vmem>> -> memref<1x128xi32, #tpu.memory_space<vmem>>
        %dma_start3A_365 = tpu.memref_squeeze %dma_start3A_364 : memref<1x128xi32, #tpu.memory_space<vmem>> -> memref<128xi32, #tpu.memory_space<vmem>>
        %dma_start3A_366 = arith.constant 0 : i32
        %dma_start3A_367 = arith.constant 0 : i32
        %dma_start3A_368 = tpu.memref_slice %arg2[%dma_start3A_366, %dma_start3A_367] : memref<1000000x64xf32, #tpu.memory_space<hbm>> -> memref<1000000x64xf32, #tpu.memory_space<hbm>>
        tpu.enqueue_indirect_dma source(%dma_start3A_368 : memref<1000000x64xf32, #tpu.memory_space<hbm>>) target(%dma_start3A_363 : memref<128x64xf32, #tpu.memory_space<vmem>>) offsets(%dma_start3A_365 : memref<128xi32, #tpu.memory_space<vmem>>) semaphore(%arg12 : memref<!tpu.dma_semaphore, #tpu.memory_space<semaphore_mem>>)
      } else {
      }
      %add3A_260 = arith.constant 3 : i32
      %add3A_261 = arith.addi %add3A_117, %add3A_260 : i32
      %dma_wait3A_262 = arith.constant 0 : i32
      %dma_wait3A_263 = arith.constant 0 : i32
      %dma_wait3A_264 = tpu.memref_slice %arg2[%dma_wait3A_262, %dma_wait3A_263] : memref<1000000x64xf32, #tpu.memory_space<hbm>> -> memref<256x64xf32, #tpu.memory_space<hbm>>
      %dma_wait3A_265 = arith.constant 0 : i32
      %dma_wait3A_266 = arith.constant 0 : i32
      %dma_wait3A_267 = tpu.memref_slice %arg2[%dma_wait3A_265, %dma_wait3A_266] : memref<1000000x64xf32, #tpu.memory_space<hbm>> -> memref<256x64xf32, #tpu.memory_space<hbm>>
      tpu.wait_dma2 semaphore(%arg13 : memref<!tpu.dma_semaphore, #tpu.memory_space<semaphore_mem>>) src(%dma_wait3A_267 : memref<256x64xf32, #tpu.memory_space<hbm>>) dst(%arg9 : memref<256x64xf32, #tpu.memory_space<vmem>>)
      %jit3A_268 = arith.constant 2 : i32
      %div3A_269 = arith.divsi %add3A_261, %jit3A_268 : i32
      %sign3A_270 = arith.constant 0 : i32
      %sign3A_271 = arith.cmpi sgt, %add3A_261, %sign3A_270 : i32
      %sign3A_272 = arith.extui %sign3A_271 : i1 to i32
      %sign3A_273 = arith.constant 0 : i32
      %sign3A_274 = arith.cmpi slt, %add3A_261, %sign3A_273 : i32
      %sign3A_275 = arith.extui %sign3A_274 : i1 to i32
      %sign3A_276 = arith.subi %sign3A_272, %sign3A_275 : i32
      %sign3A_277 = arith.constant 0 : i32
      %sign3A_278 = arith.cmpi sgt, %jit3A_268, %sign3A_277 : i32
      %sign3A_279 = arith.extui %sign3A_278 : i1 to i32
      %sign3A_280 = arith.constant 0 : i32
      %sign3A_281 = arith.cmpi slt, %jit3A_268, %sign3A_280 : i32
      %sign3A_282 = arith.extui %sign3A_281 : i1 to i32
      %sign3A_283 = arith.subi %sign3A_279, %sign3A_282 : i32
      %ne3A_284 = arith.cmpi ne, %sign3A_276, %sign3A_283 : i32
      %rem3A_285 = arith.remsi %add3A_261, %jit3A_268 : i32
      %ne3A_286 = arith.constant 0 : i32
      %ne3A_287 = arith.cmpi ne, %rem3A_285, %ne3A_286 : i32
      %and3A_288 = arith.andi %ne3A_284, %ne3A_287 : i1
      %sub3A_289 = arith.constant 1 : i32
      %sub3A_290 = arith.subi %div3A_269, %sub3A_289 : i32
      %select_n3A_291 = arith.select %and3A_288, %sub3A_290, %div3A_269 : i32
      %mul3A_292 = arith.constant 2 : i32
      %mul3A_293 = arith.muli %select_n3A_291, %mul3A_292 : i32
      %sub3A_294 = arith.subi %add3A_261, %mul3A_293 : i32
      %mul3A_295 = arith.constant 256 : i32
      %mul3A_296 = arith.muli %sub3A_294, %mul3A_295 : i32
      %add3A_297 = arith.addi %mul3A_2, %mul3A_296 : i32
      %dma_start3A_298 = arith.constant 0 : i32
      %dma_start3A_299 = tpu.memref_slice %arg4[%add3A_297, %select_n3A_291, %dma_start3A_298] : memref<16384x56x128xf32, #tpu.memory_space<hbm>> -> memref<256x1x64xf32, #tpu.memory_space<hbm>>
      %dma_start3A_300 = tpu.memref_squeeze %dma_start3A_299 : memref<256x1x64xf32, #tpu.memory_space<hbm>> -> memref<256x64xf32, #tpu.memory_space<hbm>>
      %dma_start3A_301 = arith.constant 0 : i32
      %dma_start3A_302 = tpu.memref_slice %arg4[%add3A_297, %select_n3A_291, %dma_start3A_301] : memref<16384x56x128xf32, #tpu.memory_space<hbm>> -> memref<256x1x64xf32, #tpu.memory_space<hbm>>
      %dma_start3A_303 = tpu.memref_squeeze %dma_start3A_302 : memref<256x1x64xf32, #tpu.memory_space<hbm>> -> memref<256x64xf32, #tpu.memory_space<hbm>>
      tpu.enqueue_dma source(%arg9 : memref<256x64xf32, #tpu.memory_space<vmem>>) target(%dma_start3A_303 : memref<256x64xf32, #tpu.memory_space<hbm>>) target_semaphore(%arg17 : memref<!tpu.dma_semaphore, #tpu.memory_space<semaphore_mem>>)
      %add3A_304 = arith.constant 4 : i32
      %add3A_305 = arith.addi %add3A_261, %add3A_304 : i32
      %lt3A_306 = arith.constant 100 : i32
      %lt3A_307 = arith.cmpi slt, %add3A_305, %lt3A_306 : i32
      %convert_element_type3A_308 = arith.extui %lt3A_307 : i1 to i32
      %cond3A_309 = arith.constant 0 : i32
      %cond3A_310 = arith.cmpi ne, %convert_element_type3A_308, %cond3A_309 : i32
      scf.if %cond3A_310 {
        %dma_wait3A_311 = arith.constant 0 : i32
        %dma_wait3A_312 = arith.constant 0 : i32
        %dma_wait3A_313 = tpu.memref_slice %arg4[%mul3A_2, %dma_wait3A_311, %dma_wait3A_312] : memref<16384x56x128xf32, #tpu.memory_space<hbm>> -> memref<256x1x64xf32, #tpu.memory_space<hbm>>
        %dma_wait3A_314 = tpu.memref_squeeze %dma_wait3A_313 : memref<256x1x64xf32, #tpu.memory_space<hbm>> -> memref<256x64xf32, #tpu.memory_space<hbm>>
        %dma_wait3A_315 = arith.constant 0 : i32
        %dma_wait3A_316 = tpu.memref_slice %arg4[%mul3A_2, %dma_wait3A_311, %dma_wait3A_315] : memref<16384x56x128xf32, #tpu.memory_space<hbm>> -> memref<256x1x64xf32, #tpu.memory_space<hbm>>
        %dma_wait3A_317 = tpu.memref_squeeze %dma_wait3A_316 : memref<256x1x64xf32, #tpu.memory_space<hbm>> -> memref<256x64xf32, #tpu.memory_space<hbm>>
        tpu.wait_dma2 semaphore(%arg17 : memref<!tpu.dma_semaphore, #tpu.memory_space<semaphore_mem>>) src(%arg9 : memref<256x64xf32, #tpu.memory_space<vmem>>) dst(%dma_wait3A_317 : memref<256x64xf32, #tpu.memory_space<hbm>>)
        %jit3A_318 = arith.constant 2 : i32
        %div3A_319 = arith.divsi %add3A_305, %jit3A_318 : i32
        %sign3A_320 = arith.constant 0 : i32
        %sign3A_321 = arith.cmpi sgt, %add3A_305, %sign3A_320 : i32
        %sign3A_322 = arith.extui %sign3A_321 : i1 to i32
        %sign3A_323 = arith.constant 0 : i32
        %sign3A_324 = arith.cmpi slt, %add3A_305, %sign3A_323 : i32
        %sign3A_325 = arith.extui %sign3A_324 : i1 to i32
        %sign3A_326 = arith.subi %sign3A_322, %sign3A_325 : i32
        %sign3A_327 = arith.constant 0 : i32
        %sign3A_328 = arith.cmpi sgt, %jit3A_318, %sign3A_327 : i32
        %sign3A_329 = arith.extui %sign3A_328 : i1 to i32
        %sign3A_330 = arith.constant 0 : i32
        %sign3A_331 = arith.cmpi slt, %jit3A_318, %sign3A_330 : i32
        %sign3A_332 = arith.extui %sign3A_331 : i1 to i32
        %sign3A_333 = arith.subi %sign3A_329, %sign3A_332 : i32
        %ne3A_334 = arith.cmpi ne, %sign3A_326, %sign3A_333 : i32
        %rem3A_335 = arith.remsi %add3A_305, %jit3A_318 : i32
        %ne3A_336 = arith.constant 0 : i32
        %ne3A_337 = arith.cmpi ne, %rem3A_335, %ne3A_336 : i32
        %and3A_338 = arith.andi %ne3A_334, %ne3A_337 : i1
        %sub3A_339 = arith.constant 1 : i32
        %sub3A_340 = arith.subi %div3A_319, %sub3A_339 : i32
        %select_n3A_341 = arith.select %and3A_338, %sub3A_340, %div3A_319 : i32
        %mul3A_342 = arith.constant 2 : i32
        %mul3A_343 = arith.muli %select_n3A_341, %mul3A_342 : i32
        %sub3A_344 = arith.subi %add3A_305, %mul3A_343 : i32
        %mul3A_345 = arith.constant 256 : i32
        %mul3A_346 = arith.muli %sub3A_344, %mul3A_345 : i32
        %add3A_347 = arith.constant 0 : i32
        %add3A_348 = arith.addi %mul3A_346, %add3A_347 : i32
        %dma_start3A_349 = arith.constant 0 : i32
        %dma_start3A_350 = arith.constant 0 : i32
        %dma_start3A_351 = tpu.memref_slice %arg9[%dma_start3A_349, %dma_start3A_350] : memref<256x64xf32, #tpu.memory_space<vmem>> -> memref<128x64xf32, #tpu.memory_space<vmem>>
        %dma_start3A_352 = tpu.memref_slice %arg5[%select_n3A_341, %add3A_348] : memref<50x512xi32, #tpu.memory_space<vmem>> -> memref<1x128xi32, #tpu.memory_space<vmem>>
        %dma_start3A_353 = tpu.memref_squeeze %dma_start3A_352 : memref<1x128xi32, #tpu.memory_space<vmem>> -> memref<128xi32, #tpu.memory_space<vmem>>
        %dma_start3A_354 = arith.constant 0 : i32
        %dma_start3A_355 = arith.constant 0 : i32
        %dma_start3A_356 = tpu.memref_slice %arg2[%dma_start3A_354, %dma_start3A_355] : memref<1000000x64xf32, #tpu.memory_space<hbm>> -> memref<1000000x64xf32, #tpu.memory_space<hbm>>
        tpu.enqueue_indirect_dma source(%dma_start3A_356 : memref<1000000x64xf32, #tpu.memory_space<hbm>>) target(%dma_start3A_351 : memref<128x64xf32, #tpu.memory_space<vmem>>) offsets(%dma_start3A_353 : memref<128xi32, #tpu.memory_space<vmem>>) semaphore(%arg13 : memref<!tpu.dma_semaphore, #tpu.memory_space<semaphore_mem>>)
        %mul3A_357 = arith.constant 256 : i32
        %mul3A_358 = arith.muli %sub3A_344, %mul3A_357 : i32
        %add3A_359 = arith.constant 128 : i32
        %add3A_360 = arith.addi %mul3A_358, %add3A_359 : i32
        %dma_start3A_361 = arith.constant 128 : i32
        %dma_start3A_362 = arith.constant 0 : i32
        %dma_start3A_363 = tpu.memref_slice %arg9[%dma_start3A_361, %dma_start3A_362] : memref<256x64xf32, #tpu.memory_space<vmem>> -> memref<128x64xf32, #tpu.memory_space<vmem>>
        %dma_start3A_364 = tpu.memref_slice %arg5[%select_n3A_341, %add3A_360] : memref<50x512xi32, #tpu.memory_space<vmem>> -> memref<1x128xi32, #tpu.memory_space<vmem>>
        %dma_start3A_365 = tpu.memref_squeeze %dma_start3A_364 : memref<1x128xi32, #tpu.memory_space<vmem>> -> memref<128xi32, #tpu.memory_space<vmem>>
        %dma_start3A_366 = arith.constant 0 : i32
        %dma_start3A_367 = arith.constant 0 : i32
        %dma_start3A_368 = tpu.memref_slice %arg2[%dma_start3A_366, %dma_start3A_367] : memref<1000000x64xf32, #tpu.memory_space<hbm>> -> memref<1000000x64xf32, #tpu.memory_space<hbm>>
        tpu.enqueue_indirect_dma source(%dma_start3A_368 : memref<1000000x64xf32, #tpu.memory_space<hbm>>) target(%dma_start3A_363 : memref<128x64xf32, #tpu.memory_space<vmem>>) offsets(%dma_start3A_365 : memref<128xi32, #tpu.memory_space<vmem>>) semaphore(%arg13 : memref<!tpu.dma_semaphore, #tpu.memory_space<semaphore_mem>>)
      } else {
      }
    }
    %scan3A_85 = arith.constant 25 : i32
    %dma_wait3A = arith.constant 0 : i32
    %dma_wait3A_86 = arith.constant 0 : i32
    %dma_wait3A_87 = tpu.memref_slice %arg4[%mul3A_2, %dma_wait3A, %dma_wait3A_86] : memref<16384x56x128xf32, #tpu.memory_space<hbm>> -> memref<256x1x64xf32, #tpu.memory_space<hbm>>
    %dma_wait3A_88 = tpu.memref_squeeze %dma_wait3A_87 : memref<256x1x64xf32, #tpu.memory_space<hbm>> -> memref<256x64xf32, #tpu.memory_space<hbm>>
    %dma_wait3A_89 = arith.constant 0 : i32
    %dma_wait3A_90 = tpu.memref_slice %arg4[%mul3A_2, %dma_wait3A, %dma_wait3A_89] : memref<16384x56x128xf32, #tpu.memory_space<hbm>> -> memref<256x1x64xf32, #tpu.memory_space<hbm>>
    %dma_wait3A_91 = tpu.memref_squeeze %dma_wait3A_90 : memref<256x1x64xf32, #tpu.memory_space<hbm>> -> memref<256x64xf32, #tpu.memory_space<hbm>>
    tpu.wait_dma2 semaphore(%arg14 : memref<!tpu.dma_semaphore, #tpu.memory_space<semaphore_mem>>) src(%arg6 : memref<256x64xf32, #tpu.memory_space<vmem>>) dst(%dma_wait3A_91 : memref<256x64xf32, #tpu.memory_space<hbm>>)
    %dma_wait3A_92 = arith.constant 0 : i32
    %dma_wait3A_93 = arith.constant 0 : i32
    %dma_wait3A_94 = tpu.memref_slice %arg4[%mul3A_2, %dma_wait3A_92, %dma_wait3A_93] : memref<16384x56x128xf32, #tpu.memory_space<hbm>> -> memref<256x1x64xf32, #tpu.memory_space<hbm>>
    %dma_wait3A_95 = tpu.memref_squeeze %dma_wait3A_94 : memref<256x1x64xf32, #tpu.memory_space<hbm>> -> memref<256x64xf32, #tpu.memory_space<hbm>>
    %dma_wait3A_96 = arith.constant 0 : i32
    %dma_wait3A_97 = tpu.memref_slice %arg4[%mul3A_2, %dma_wait3A_92, %dma_wait3A_96] : memref<16384x56x128xf32, #tpu.memory_space<hbm>> -> memref<256x1x64xf32, #tpu.memory_space<hbm>>
    %dma_wait3A_98 = tpu.memref_squeeze %dma_wait3A_97 : memref<256x1x64xf32, #tpu.memory_space<hbm>> -> memref<256x64xf32, #tpu.memory_space<hbm>>
    tpu.wait_dma2 semaphore(%arg15 : memref<!tpu.dma_semaphore, #tpu.memory_space<semaphore_mem>>) src(%arg7 : memref<256x64xf32, #tpu.memory_space<vmem>>) dst(%dma_wait3A_98 : memref<256x64xf32, #tpu.memory_space<hbm>>)
    %dma_wait3A_99 = arith.constant 0 : i32
    %dma_wait3A_100 = arith.constant 0 : i32
    %dma_wait3A_101 = tpu.memref_slice %arg4[%mul3A_2, %dma_wait3A_99, %dma_wait3A_100] : memref<16384x56x128xf32, #tpu.memory_space<hbm>> -> memref<256x1x64xf32, #tpu.memory_space<hbm>>
    %dma_wait3A_102 = tpu.memref_squeeze %dma_wait3A_101 : memref<256x1x64xf32, #tpu.memory_space<hbm>> -> memref<256x64xf32, #tpu.memory_space<hbm>>
    %dma_wait3A_103 = arith.constant 0 : i32
    %dma_wait3A_104 = tpu.memref_slice %arg4[%mul3A_2, %dma_wait3A_99, %dma_wait3A_103] : memref<16384x56x128xf32, #tpu.memory_space<hbm>> -> memref<256x1x64xf32, #tpu.memory_space<hbm>>
    %dma_wait3A_105 = tpu.memref_squeeze %dma_wait3A_104 : memref<256x1x64xf32, #tpu.memory_space<hbm>> -> memref<256x64xf32, #tpu.memory_space<hbm>>
    tpu.wait_dma2 semaphore(%arg16 : memref<!tpu.dma_semaphore, #tpu.memory_space<semaphore_mem>>) src(%arg8 : memref<256x64xf32, #tpu.memory_space<vmem>>) dst(%dma_wait3A_105 : memref<256x64xf32, #tpu.memory_space<hbm>>)
    %dma_wait3A_106 = arith.constant 0 : i32
    %dma_wait3A_107 = arith.constant 0 : i32
    %dma_wait3A_108 = tpu.memref_slice %arg4[%mul3A_2, %dma_wait3A_106, %dma_wait3A_107] : memref<16384x56x128xf32, #tpu.memory_space<hbm>> -> memref<256x1x64xf32, #tpu.memory_space<hbm>>
    %dma_wait3A_109 = tpu.memref_squeeze %dma_wait3A_108 : memref<256x1x64xf32, #tpu.memory_space<hbm>> -> memref<256x64xf32, #tpu.memory_space<hbm>>
    %dma_wait3A_110 = arith.constant 0 : i32
    %dma_wait3A_111 = tpu.memref_slice %arg4[%mul3A_2, %dma_wait3A_106, %dma_wait3A_110] : memref<16384x56x128xf32, #tpu.memory_space<hbm>> -> memref<256x1x64xf32, #tpu.memory_space<hbm>>
    %dma_wait3A_112 = tpu.memref_squeeze %dma_wait3A_111 : memref<256x1x64xf32, #tpu.memory_space<hbm>> -> memref<256x64xf32, #tpu.memory_space<hbm>>
    tpu.wait_dma2 semaphore(%arg17 : memref<!tpu.dma_semaphore, #tpu.memory_space<semaphore_mem>>) src(%arg9 : memref<256x64xf32, #tpu.memory_space<vmem>>) dst(%dma_wait3A_112 : memref<256x64xf32, #tpu.memory_space<hbm>>)
    return
  }
}

</mosaic_0001>

<sc_bundles>
// kernel: _embedding_gather.3.cloned.1.call-start
scs
__scs_entry_jumppad:
0x0: {  	(pc) =	sbr.rel $0x88, $3  }
0x1: {  	(tag) =	ssettag $0x0;
	lr =	simm.s32 $0x1  }
0x2: {  	[smem:$0x3F9F] =	sst lr;
	_ =	strace $0xD0000000  }
0x3: {  	_ = 	snop  }
0x4: {  	_ = 	snop  }
0x5: {  	_ = 	snop  }
0x6: {  	_ = 	snop  }
0x7: {  	_ = 	snop  }
__scs_overlays_trampoline_lowered:
0x8: {  	[smem:$0x3FAE] =	sst s0  }
0x9: {  	[smem:$0x3FAF] =	sst s1  }
0xa: {  	[smem:$0x3FB0] =	sst s2  }
0xb: {  	[smem:$0x3FB1] =	sst s3  }
0xc: {  	[smem:$0x3FB2] =	sst s4  }
0xd: {  	[smem:$0x3FB3] =	sst s5  }
0xe: {  	[smem:$0x3FB4] =	sst s6  }
0xf: {  	[smem:$0x3FB5] =	sst s7  }
0x10: {  	[smem:$0x3FB6] =	sst s8  }
0x11: {  	[smem:$0x3FB7] =	sst s9;
	s0 =	simm.s32 @!p0 $0x0  }
0x12: {  	s1 =	sld [smem:$0x3F9D];
	s0 =	simm.s32 @p0 $0x1  }
0x13: {  	[smem:$0x3FB8] =	sst s0;
	s0 =	simm.s32 @!p1 $0x0  }
0x14: {  	s2 =	sld [smem:$0x3F9C];
	s0 =	simm.s32 @p1 $0x1  }
0x15: {  	[smem:$0x3FB9] =	sst s0;
	s0 =	simm.s32 @!p2 $0x0  }
0x16: {  	s3 =	sld [smem:$0x3FDB];
	s0 =	simm.s32 @p2 $0x1  }
0x17: {  	s4 =	simm.s32 $0x1BF5;
	[smem:$0x3FBB] =	sst s0  }
0x18: {  	s0 =	sld [smem:$0x3F9E];
	_ =	swait.ge [sflag:s4], $0x0  }
0x19: {  	s7 =	sld [smem:$0x3F9F]  }
0x1a: {  	s8 =	sadd.s32 $0xFFFFE003, lr  }
0x1b: {  	s9 =	sadd.s32 $0xFFFFFEF7, lr;
	s5 =	simm.s32 $0xFFFFFFFF;
	p2 =	slt.u32 s8, $0xFFFFF086  }
0x1c: {  	p1 =	slt.u32 s9, $0xF7A;
	s5 =	simm.s32 @!p2 $0x0  }
0x1d: {  	s5 =	simm.s32 @p1 $0x1;
	p0 =	seq.s32 s7, s2  }
0x1e: {  	s7 =	smul.u32 @!p0 $0xF7A, s2;
	p2 =	seq.s32 @!p0 s5, $0x0  }
0x1f: {  	s9 =	smul.u32 $0xF7A, s1;
	s8 =	simm.s32 @!p0 $0x1BF5;
	p2 =	por !p2, p0  }
0x20: {  	[sflag:s8] =	ssyncset.s32 @!p0 $0xFFFFF086;
	s6 =	sadd.s32 @!p0 s3, s7;
	s7 =	simm.s32 @!p0 $0x108  }
0x21: {  	s3 =	sadd.s32 s3, s9;
	s6 =	sadd.s32 @!p0 $0x88, s6;
	s7 =	simm.s32 @p2 $0x1082  }
0x22: {  	[simem:s7], [sflag:s8] =	dma.local @!p0 [hbm:s6], $0xF7A  }
0x23: {  	s9 =	sor.u32 $0xD0000000, s2;
	s6 =	simm.s32 $0x108;
	_ =	swait.ge @!p0 [sflag:s8], $0x0  }
0x24: {  	s3 =	sadd.s32 $0x88, s3;
	s6 =	simm.s32 @!p1 $0x1082;
	[sflag:s4] =	ssyncset.s32 $0xFFFFF086  }
0x25: {  	[simem:s6], [sflag:s4] =	dma.local [hbm:s3], $0xF7A  }
0x26: {  	[smem:$0x3F9F] =	sst s1;
	(tag) =	ssettag s2;
	_ =	strace s9  }
0x27: {  	s1 =	sld [smem:$0x3FAF]  }
0x28: {  	s2 =	sld [smem:$0x3FB0]  }
0x29: {  	s4 =	sld [smem:$0x3FB2]  }
0x2a: {  	p0 =	seq.s32 s5, $0x0;
	s5 =	sld [smem:$0x3FB3]  }
0x2b: {  	s6 =	sld [smem:$0x3FB4]  }
0x2c: {  	s7 =	sld [smem:$0x3FB5]  }
0x2d: {  	s3 =	simm.s32 $0x108;
	s8 =	sld [smem:$0x3FB6]  }
0x2e: {  	s3 =	simm.s32 @!p0 $0x1082;
	s9 =	sld [smem:$0x3FB7]  }
0x2f: {  	lr =	sadd.s32 s0, s3;
	s0 =	sld [smem:$0x3FAE]  }
0x30: {  	s3 =	sld [smem:$0x3FB1]  }
0x31: {  	[smem:$0x3FBA] =	sst s10  }
0x32: {  	s10 =	sld [smem:$0x3FB8];
	_ =	sdelay $0x3  }
0x33: {  	p0 =	seq.s32 s10, $0x1;
	s10 =	sld [smem:$0x3FBA];
	_ =	sdelay $0x3  }
0x34: {  	[smem:$0x3FBA] =	sst s10  }
0x35: {  	s10 =	sld [smem:$0x3FB9];
	_ =	sdelay $0x3  }
0x36: {  	p1 =	seq.s32 s10, $0x1;
	s10 =	sld [smem:$0x3FBA];
	_ =	sdelay $0x3  }
0x37: {  	[smem:$0x3FBA] =	sst s10  }
0x38: {  	s10 =	sld [smem:$0x3FBB]  }
0x39: {  	_ = 	snop;
	(pc) =	sbr.ind lr, $3  }
0x3a: {  	_ = 	snop  }
0x3b: {  	_ = 	snop  }
0x3c: {  	p2 =	seq.s32 s10, $0x1;
	s10 =	sld [smem:$0x3FBA]  }
0x3d: {  	_ =	shalt  }
0x3e: {  	_ =	shalt  }
0x3f: {  	_ =	shalt  }
0x40: {  	_ =	shalt  }
0x41: {  	_ =	shalt  }
0x42: {  	_ =	shalt  }
0x43: {  	_ =	shalt  }
0x44: {  	_ =	shalt  }
0x45: {  	_ =	shalt  }
0x46: {  	_ =	shalt  }
0x47: {  	_ =	shalt  }
0x48: {  	_ =	shalt  }
0x49: {  	_ =	shalt  }
0x4a: {  	_ =	shalt  }
0x4b: {  	_ =	shalt  }
0x4c: {  	_ =	shalt  }
0x4d: {  	_ =	shalt  }
0x4e: {  	_ =	shalt  }
0x4f: {  	_ =	shalt  }
0x50: {  	_ =	shalt  }
0x51: {  	_ =	shalt  }
0x52: {  	_ =	shalt  }
0x53: {  	_ =	shalt  }
0x54: {  	_ =	shalt  }
0x55: {  	_ =	shalt  }
0x56: {  	_ =	shalt  }
0x57: {  	_ =	shalt  }
0x58: {  	_ =	shalt  }
0x59: {  	_ =	shalt  }
0x5a: {  	_ =	shalt  }
0x5b: {  	_ =	shalt  }
0x5c: {  	_ =	shalt  }
0x5d: {  	_ =	shalt  }
0x5e: {  	_ =	shalt  }
0x5f: {  	_ =	shalt  }
0x60: {  	_ =	shalt  }
0x61: {  	_ =	shalt  }
0x62: {  	_ =	shalt  }
0x63: {  	_ =	shalt  }
0x64: {  	_ =	shalt  }
0x65: {  	_ =	shalt  }
0x66: {  	_ =	shalt  }
0x67: {  	_ =	shalt  }
0x68: {  	_ =	shalt  }
0x69: {  	_ =	shalt  }
0x6a: {  	_ =	shalt  }
0x6b: {  	_ =	shalt  }
0x6c: {  	_ =	shalt  }
0x6d: {  	_ =	shalt  }
0x6e: {  	_ =	shalt  }
0x6f: {  	_ =	shalt  }
0x70: {  	_ =	shalt  }
0x71: {  	_ =	shalt  }
0x72: {  	_ =	shalt  }
0x73: {  	_ =	shalt  }
0x74: {  	_ =	shalt  }
0x75: {  	_ =	shalt  }
0x76: {  	_ =	shalt  }
0x77: {  	_ =	shalt  }
0x78: {  	_ =	shalt  }
0x79: {  	_ =	shalt  }
0x7a: {  	_ =	shalt  }
0x7b: {  	_ =	shalt  }
0x7c: {  	_ =	shalt  }
0x7d: {  	_ =	shalt  }
0x7e: {  	_ =	shalt  }
0x7f: {  	_ =	shalt  }
0x80: {  	_ =	shalt  }
0x81: {  	_ =	shalt  }
0x82: {  	_ =	shalt  }
0x83: {  	_ =	shalt  }
0x84: {  	_ =	shalt  }
0x85: {  	_ =	shalt  }
0x86: {  	_ =	shalt  }
0x87: {  	_ =	shalt  }
.Lfunc_end0:
.L_simem_size_0:
called_computation_lowered:
.L_overlay_start_0:
0x88: {  	s2 =	sld [smem:$0x3FD9]  }
0x89: {  	s3 =	sld [smem:$0x3FFE];
	_ =	sdelay $0x1  }
0x8a: {  	s1 =	srdreg.scid  }
0x8b: {  	s0 =	sand.u32 $0x1, s1  }
0x8c: {  	s17 =	sshll.u32 s0, $0xA;
	s2 =	sadd.s32 s3, s2  }
0x8d: {  	s2 =	sadd.s32 s2, s17  }
0x8e: {  	[smem:$0x3FC6] =	sst s2  }
0x8f: {  	_ = 	snop  }
0x90: {  	s2 =	sld [smem:$0x3FD0];
	(tm) =	ssettm $0x1  }
0x91: {  	s18 =	sld [smem:$0x3FFB];
	_ =	sdelay $0x3  }
0x92: {  	_ =	strace s18  }
0x93: {  	s3 =	sld [smem:$0x3FFC];
	_ =	sdelay $0x3  }
0x94: {  	_ =	strace s3  }
0x95: {  	s3 =	sld [smem:$0x3FFD];
	_ =	sdelay $0x3  }
0x96: {  	_ =	strace s3  }
0x97: {  	_ =	strace $0x8FFFFFFF  }
0x98: {  	s19 =	sld [smem:$0x3FDB];
	_ =	sdelay $0x1  }
0x99: {  	s4 =	simm.s32 $_scs_section_size  }
0x9a: {  	s5 =	simm.s32 $_size__tile_overlayer_lowered;
	s6 =	simm.s32 $_tile_overlayer_lowered  }
0x9b: {  	s22 =	simm.s32 $0x1BFF;
	s21 =	sshll.u32 s6, $0x1;
	s3 =	sadd.s32 s4, s19  }
0x9c: {  	s7 =	simm.s32 $0x0;
	s20 =	sshll.u32 s5, $0x1;
	s5 =	sadd.s32 s21, s3  }
0x9d: {  	[timem:s7], [sflag:s22] =	dma.local [hbm:s5], s20  }
0x9e: {  	_ =	swait.ge [sflag:s22], s20  }
0x9f: {  	s4 =	ssub.s32 $0x0, s20;
	[sflag:s22] =	ssyncset.done $0x0  }
0xa0: {  	[sflag:s22] =	ssyncadd.s32 s4;
	_ =	sdelay $0x1  }
0xa1: {  	s23 =	simm.s32 $0x1B8B  }
0xa2: {  	_ =	swait.ge [sflag:s23], $0x1  }
0xa3: {  	[sflag:s23] =	ssyncset.done $0x0  }
0xa4: {  	s25 =	simm.s32 $0x1B8E;
	s24 =	sld [smem:$0x3FFE];
	[sflag:s23] =	ssyncadd.s32 $0xFFFFFFFF  }
0xa5: {  	s26 =	simm.s32 $execute0_lowered;
	[smem:$0x3FD2] =	sst s25  }
0xa6: {  	s5 =	sshll.u32 s26, $0x1;
	_ =	strace $0x80000046;
	[dreg:$0x1] =	wrdreg $0xFFFFFFFF  }
0xa7: {  	s28 =	simm.s32 $_size_execute0_lowered;
	s3 =	sadd.s32 s3, s5;
	[dreg:$0x0] =	wrdreg $0x0  }
0xa8: {  	s5 =	sshll.u32 s28, $0x1;
	[dreg:$0x2] =	wrdreg s3  }
0xa9: {  	[dreg:$0x3] =	wrdreg s5  }
0xaa: {  	[dreg:$0x4] =	wrdreg $0xC0  }
0xab: {  	_ =	task [dreg:s7], $0x5FFFF  }
0xac: {  	[dreg:$0x1] =	wrdreg $0xFFFFFFFF  }
0xad: {  	[dreg:$0x0] =	wrdreg $0x60  }
0xae: {  	[dreg:$0x2] =	wrdreg s24  }
0xaf: {  	[dreg:$0x3] =	wrdreg s2  }
0xb0: {  	[dreg:$0x4] =	wrdreg $0x9  }
0xb1: {  	_ =	task.clear_ibuf [dreg:s7], $0x5FFFF;
	_ =	strace $0x90000046  }
0xb2: {  	s29 =	simm.s32 $0x9;
	_ =	strace $0x80000048  }
0xb3: {  	_ =	swait.ge [sflag:s29], $0x1  }
0xb4: {  	[sflag:s29] =	ssyncadd.s32 $0xFFFFFFFF  }
0xb5: {  	_ =	strace $0x90000048  }
0xb6: {  	_ =	sfence  }
0xb7: {  	s30 =	sld [smem:$0x0];
	_ =	sdelay $0x2  }
0xb8: {  	s31 =	sshll.u32 s1, $0xD;
	s1 =	sshrl.u32 s1, $0x2  }
0xb9: {  	s3 =	sand.u32 $0x4000, s31;
	s1 =	sadd.s32 s1, s30  }
0xba: {  	s0 =	sor.u32 s3, s0;
	s1 =	sshll.u32 s1, $0x11  }
0xbb: {  	s0 =	sor.u32 s1, s0  }
0xbc: {  	s0 =	sadd.s32 $0x8F2B, s0  }
0xbd: {  	[sflag:s0] =	ssyncadd.remote.s32 $0x1  }
0xbe: {  	_ =	sfence.sel $0xFFFF  }
0xbf: {  	[dreg:$0x0] =	wrdreg $0xFFFFFFFF;
	(pc) =	sbr.abs _section_cstart, $3  }
0xc0: {  	[dreg:$0x1] =	wrdreg $0xFFFFFFFF  }
0xc1: {  	_ =	task.clear_ibuf [dreg:s7], $0x2FFFF;
	_ =	strace $0x9FFFFFFF  }
0xc2: {  	(tm) =	ssettm $0x7FFFFFFF  }
0xc3: {  	_ =	shalt  }
tec
execute0_lowered:
.L_overlay_start_1:
0x0: {  	(tag) =	ssettag $0x1  }
0x1: {  	s0 =	srdreg.scid  }
0x2: {  	s1 =	rddreg [dreg:$0x0];
	s2 =	stileid.u32  }
0x3: {  	s7 =	rddreg [dreg:$0x1];
	s5 =	simm.s32 $0x0;
	s13 =	simm.s32 $0x9  }
0x4: {  	s14 =	simm.s32 $0x80;
	s15 =	simm.s32 $0x6400;
	s28 =	simm.s32 $0x14400  }
0x5: {  	s29 =	simm.s32 $0x1;
	s30 =	simm.s32 $0x40;
	s31 =	simm.s32 $0x1C00  }
0x6: {  	s12 =	simm.s32 $0x5;
	s16 =	simm.s32 $0x6;
	s17 =	simm.s32 $0x7  }
0x7: {  	s0 =	sand.u32 $0x1, s0;
	s3 =	sshll.u32 s2, $0xA;
	[smem:$0x7FF] =	sst s5  }
0x8: {  	s18 =	smul.u32 $0x700000, s2;
	s4 =	sshll.u32 s0, $0x9;
	_ =	strace $0x80000047  }
0x9: {  	s8 =	ssub.s32 $0x2, s0;
	s0 =	smul.u32 $0x380000, s0;
	s3 =	sor.u32 s4, s3  }
0xa: {  	s19 =	sshrl.u32 s8, $0x1;
	s4 =	smul.u32 $0x1C00, s3;
	s6 =	sshrl.u32 s3, $0x3  }
0xb: {  	s3 =	sadd.s32 $0xF42A00, s1;
	s0 =	sadd.s32 s0, s18;
	s18 =	simm.s32 $0x8  }
0xc: {  	s1 =	sadd.s32 s6, s1;
	s6 =	ssub.s32 s8, s19;
	s22 =	sadd.s32 $0x1C0080, s0  }
0xd: {  	s25 =	sor.u32 $0x80, s0;
	s26 =	sadd.s32 $0x1C0000, s0;
	s0 =	sshrl.u32 s0, $0x3  }
0xe: {  	s19 =	simm.s32 $0x0;
	s20 =	sshrl.u32 s4, $0x3;
	s1 =	sadd.s32 $0x600, s1  }
0xf: {  	s23 =	smax.u32 s6, $0x1;
	s24 =	sshrl.u32 s22, $0x3;
	s8 =	sshrl.u32 s26, $0x3  }
.Ltmp0:
0x10: {  	[dreg:$0x3] =	wrdreg s1;
	s21 =	sadd.s32 s7, s20;
	(pc) =	sbr.rel .LBB2_1-.Ltmp0, $4  }
0x11: {  	[dreg:$0x4] =	wrdreg s23;
	s1 =	sadd.s32 s24, s7;
	s22 =	sadd.s32 s8, s7  }
0x12: {  	s20 =	sadd.s32 s0, s7;
	s0 =	simm.s32 $0x4;
	s6 =	sadd.s32 $0x38300, s21  }
0x13: {  	[dreg:$0x5] =	wrdreg s1;
	s1 =	sshrl.u32 s25, $0x3;
	s21 =	simm.s32 $0xE400  }
0x14: {  	s25 =	simm.s32 $0x12400;
	s23 =	sadd.s32 s1, s7;
	s1 =	simm.s32 $0x3  }
.LBB2_4:
0x15: {  	_ =	swait.ge [sflag:s12], $0x4000  }
0x16: {  	[sflag:s12] =	ssyncset.done $0x0  }
0x17: {  	[sflag:s12] =	ssyncadd.s32 $0xFFFFC000  }
0x18: {  	_ =	swait.ge [sflag:s16], $0x4000  }
0x19: {  	[sflag:s16] =	ssyncset.done $0x0  }
0x1a: {  	[sflag:s16] =	ssyncadd.s32 $0xFFFFC000  }
0x1b: {  	_ =	swait.ge [sflag:s17], $0x4000  }
0x1c: {  	[sflag:s17] =	ssyncset.done $0x0  }
0x1d: {  	[sflag:s17] =	ssyncadd.s32 $0xFFFFC000  }
0x1e: {  	_ =	swait.ge [sflag:s18], $0x4000  }
0x1f: {  	s19 =	sadd.s32 $0x1, s19;
	s2 =	rddreg [dreg:$0x4]  }
0x20: {  	p0 =	sne.s32 s19, s2  }
.Ltmp1:
0x21: {  	_ = 	snop;
	(pc) =	sbr.rel @!p0 .LBB2_5-.Ltmp1, $3  }
0x22: {  	_ =	sdelay $0x1  }
0x23: {  	[sflag:s18] =	ssyncset.done $0x0  }
0x24: {  	[sflag:s18] =	ssyncadd.s32 $0xFFFFC000  }
.LBB2_1:
0x25: {  	s2 =	simm.s32 $0x0  }
0x26: {  	s4 =	rddreg [dreg:$0x3];
	s5 =	simm.s32 $0x200;
	s7 =	simm.s32 $0x4000  }
0x27: {  	[tilespmem:s2], [sflag:$0x9] =	stream.strided.gather [hbm4b:s4+s5], $0x6400, s7, s5, $0x38;
	[tilespmem:$0x16400] =	vst v63  }
0x28: {  	_ =	swait.ge [sflag:s13], $0x6400  }
0x29: {  	[sflag:s13] =	ssyncset.done $0x0  }
0x2a: {  	[sflag:s13] =	ssyncadd.s32 $0xFFFF9C00  }
0x2b: {  	[tilespmem:s15], [sflag:$0x1] =	stream.indirect.gather [hbm4b:s3+s14], $0x40, s2, s14, $0xb8;
	[tilespmem:$0x16400] =	vst v63  }
0x2c: {  	s26 =	simm.s32 $0x8400  }
0x2d: {  	[tilespmem:s26], [sflag:$0x1] =	stream.indirect.gather [hbm4b:s3+s14], $0x40, s14, s14, $0xb8;
	[tilespmem:$0x16400] =	vst v63  }
0x2e: {  	s4 =	simm.s32 $0x100;
	s7 =	simm.s32 $0xA400  }
0x2f: {  	[tilespmem:s7], [sflag:$0x2] =	stream.indirect.gather [hbm4b:s3+s14], $0x40, s4, s14, $0xb8;
	[tilespmem:$0x16400] =	vst v63  }
0x30: {  	s8 =	simm.s32 $0x180;
	s9 =	simm.s32 $0xC400  }
0x31: {  	[tilespmem:s9], [sflag:$0x2] =	stream.indirect.gather [hbm4b:s3+s14], $0x40, s8, s14, $0xb8;
	[tilespmem:$0x16400] =	vst v63  }
0x32: {  	_ = 	snop  }
0x33: {  	[tilespmem:s21], [sflag:$0x3] =	stream.indirect.gather [hbm4b:s3+s14], $0x40, s5, s14, $0xb8;
	[tilespmem:$0x16400] =	vst v63  }
0x34: {  	s10 =	simm.s32 $0x280;
	s11 =	simm.s32 $0x10400  }
0x35: {  	[tilespmem:s11], [sflag:$0x3] =	stream.indirect.gather [hbm4b:s3+s14], $0x40, s10, s14, $0xb8;
	[tilespmem:$0x16400] =	vst v63  }
0x36: {  	s24 =	simm.s32 $0x300  }
0x37: {  	[tilespmem:s25], [sflag:$0x4] =	stream.indirect.gather [hbm4b:s3+s14], $0x40, s24, s14, $0xb8;
	[tilespmem:$0x16400] =	vst v63  }
0x38: {  	s26 =	simm.s32 $0x380;
	s7 =	rddreg [dreg:$0x5];
	s9 =	smov.u32 s22  }
0x39: {  	[tilespmem:s28], [sflag:$0x4] =	stream.indirect.gather [hbm4b:s3+s14], $0x40, s26, s14, $0xb8;
	[tilespmem:$0x16400] =	vst v63  }
0x3a: {  	s8 =	smov.u32 s23;
	s10 =	smov.u32 s20;
	s26 =	simm.s32 $0x0  }
.LBB2_2:
0x3b: {  	_ =	swait.ge [sflag:s29], $0x4000  }
0x3c: {  	p0 =	seq.s32 s26, $0x18000;
	[sflag:s29] =	ssyncset.done $0x0  }
0x3d: {  	s2 =	simm.s32 @p0 $0x2;
	[sflag:s29] =	ssyncadd.s32 $0xFFFFC000  }
0x3e: {  	[hbm4b:s10+s30] =	stream.strided.scatter [tilespmem:s15], [sflag:$0x5], $0x4000, s31, s30, $0x38;
	[tilespmem:$0x16400] =	vst v63  }
0x3f: {  	_ =	swait.ge @p0 [sflag:s2], $0x4000  }
0x40: {  	s4 =	simm.s32 @p0 $0x1C00;
	[sflag:s2] =	ssyncset.done @p0 $0x0  }
0x41: {  	s5 =	simm.s32 @p0 $0xA400;
	[sflag:s2] =	ssyncadd.s32 @p0 $0xFFFFC000;
	s2 =	simm.s32 @p0 $0x40  }
0x42: {  	[hbm4b:s6+s2] =	stream.strided.scatter @p0 [tilespmem:s5], [sflag:$0x6], $0x4000, s4, s2, $0x38;
	[tilespmem:$0x16400] =	vst v63  }
0x43: {  	s2 =	simm.s32 @!p0 $0x5  }
0x44: {  	_ =	swait.ge @!p0 [sflag:s2], $0x4000  }
0x45: {  	[sflag:s2] =	ssyncset.done @!p0 $0x0  }
0x46: {  	[sflag:s2] =	ssyncadd.s32 @!p0 $0xFFFFC000;
	s2 =	sshra.s32 @!p0 s26, $0x2  }
0x47: {  	s24 =	simm.s32 @!p0 $0x6400;
	s5 =	simm.s32 @!p0 $0x80;
	s4 =	sadd.s32 @!p0 $0x400, s2  }
0x48: {  	[tilespmem:s24], [sflag:$0x1] =	stream.indirect.gather @!p0 [hbm4b:s3+s5], $0x40, s4, s5, $0xb8;
	[tilespmem:$0x16400] =	vst v63  }
0x49: {  	s4 =	sadd.s32 @!p0 $0x480, s2;
	s24 =	simm.s32 @!p0 $0x8400  }
0x4a: {  	[tilespmem:s24], [sflag:$0x1] =	stream.indirect.gather @!p0 [hbm4b:s3+s5], $0x40, s4, s5, $0xb8;
	[tilespmem:$0x16400] =	vst v63  }
0x4b: {  	s4 =	simm.s32 @!p0 $0x2  }
0x4c: {  	_ =	swait.ge @!p0 [sflag:s4], $0x4000  }
0x4d: {  	s11 =	simm.s32 @!p0 $0xA400;
	[sflag:s4] =	ssyncset.done @!p0 $0x0  }
0x4e: {  	s24 =	simm.s32 @!p0 $0x1C00;
	[sflag:s4] =	ssyncadd.s32 @!p0 $0xFFFFC000;
	s4 =	simm.s32 @!p0 $0x40  }
0x4f: {  	[hbm4b:s9+s4] =	stream.strided.scatter @!p0 [tilespmem:s11], [sflag:$0x6], $0x4000, s24, s4, $0x38;
	[tilespmem:$0x16400] =	vst v63  }
0x50: {  	s4 =	simm.s32 @!p0 $0x6  }
0x51: {  	_ =	swait.ge @!p0 [sflag:s4], $0x4000  }
0x52: {  	[sflag:s4] =	ssyncset.done @!p0 $0x0  }
0x53: {  	[sflag:s4] =	ssyncadd.s32 @!p0 $0xFFFFC000;
	s4 =	sadd.s32 @!p0 $0x500, s2  }
0x54: {  	[tilespmem:s11], [sflag:$0x2] =	stream.indirect.gather @!p0 [hbm4b:s3+s5], $0x40, s4, s5, $0xb8;
	[tilespmem:$0x16400] =	vst v63  }
0x55: {  	s4 =	sadd.s32 @!p0 $0x580, s2;
	s11 =	simm.s32 @!p0 $0xC400  }
0x56: {  	[tilespmem:s11], [sflag:$0x2] =	stream.indirect.gather @!p0 [hbm4b:s3+s5], $0x40, s4, s5, $0xb8;
	[tilespmem:$0x16400] =	vst v63  }
0x57: {  	_ =	swait.ge [sflag:s1], $0x4000  }
0x58: {  	[sflag:s1] =	ssyncset.done $0x0  }
0x59: {  	s4 =	simm.s32 @!p0 $0x7;
	[sflag:s1] =	ssyncadd.s32 $0xFFFFC000  }
0x5a: {  	[hbm4b:s8+s30] =	stream.strided.scatter [tilespmem:s21], [sflag:$0x7], $0x4000, s31, s30, $0x38;
	[tilespmem:$0x16400] =	vst v63  }
0x5b: {  	_ =	swait.ge @!p0 [sflag:s4], $0x4000  }
0x5c: {  	[sflag:s4] =	ssyncset.done @!p0 $0x0  }
0x5d: {  	s11 =	simm.s32 @!p0 $0xE400;
	[sflag:s4] =	ssyncadd.s32 @!p0 $0xFFFFC000;
	s4 =	sadd.s32 @!p0 $0x600, s2  }
0x5e: {  	[tilespmem:s11], [sflag:$0x3] =	stream.indirect.gather @!p0 [hbm4b:s3+s5], $0x40, s4, s5, $0xb8;
	[tilespmem:$0x16400] =	vst v63  }
0x5f: {  	s2 =	sadd.s32 @!p0 $0x680, s2;
	s4 =	simm.s32 @!p0 $0x10400  }
0x60: {  	[tilespmem:s4], [sflag:$0x3] =	stream.indirect.gather @!p0 [hbm4b:s3+s5], $0x40, s2, s5, $0xb8;
	[tilespmem:$0x16400] =	vst v63  }
.Ltmp2:
0x61: {  	_ = 	snop;
	(pc) =	sbr.rel @p0 .LBB2_4-.Ltmp2, $4  }
0x62: {  	_ =	swait.ge [sflag:s0], $0x4000  }
0x63: {  	[sflag:s0] =	ssyncset.done $0x0  }
0x64: {  	[sflag:s0] =	ssyncadd.s32 $0xFFFFC000  }
0x65: {  	[hbm4b:s7+s30] =	stream.strided.scatter [tilespmem:s25], [sflag:$0x8], $0x4000, s31, s30, $0x38;
	[tilespmem:$0x16400] =	vst v63  }
0x66: {  	_ =	swait.ge [sflag:s18], $0x4000;
	s2 =	sshra.s32 s26, $0x2;
	s26 =	sadd.s32 $0x1000, s26  }
.Ltmp3:
0x67: {  	s7 =	sadd.s32 $0x20, s7;
	[sflag:s18] =	ssyncset.done $0x0;
	(pc) =	sbr.rel .LBB2_2-.Ltmp3, $4  }
0x68: {  	s8 =	sadd.s32 $0x20, s8;
	s4 =	sadd.s32 $0x700, s2;
	[sflag:s18] =	ssyncadd.s32 $0xFFFFC000  }
0x69: {  	[tilespmem:s25], [sflag:$0x4] =	stream.indirect.gather [hbm4b:s3+s14], $0x40, s4, s14, $0xb8;
	[tilespmem:$0x16400] =	vst v63  }
0x6a: {  	s9 =	sadd.s32 $0x20, s9;
	s10 =	sadd.s32 $0x20, s10;
	s2 =	sadd.s32 $0x780, s2  }
0x6b: {  	[tilespmem:s28], [sflag:$0x4] =	stream.indirect.gather [hbm4b:s3+s14], $0x40, s2, s14, $0xb8;
	[tilespmem:$0x16400] =	vst v63  }
.LBB2_5:
0x6c: {  	_ =	sfence.sel $0x180000  }
0x6d: {  	[bflag:$0x0] =	sbarrier.arrive $0xFFFF  }
0x6e: {  	_ =	strace $0x90000047  }
0x6f: {  	s0 =	stileid.u32;
	[bflag:$0x2] =	sbarrier.arrive $0xFFFF  }
0x70: {  	p0 =	sne.s32 s0, $0x0;
	s0 =	rddreg [dreg:$0x2]  }
0x71: {  	s0 =	sadd.s32 @!p0 $0x100000, s0  }
0x72: {  	[sflag:s0] =	ssyncadd.tile.s32 @!p0 $0x1;
	_ =	shalt  }
.Lfunc_end2:
_tile_overlayer_lowered:
.L_overlay_start_2:
0x73: {  	(tag) =	ssettag $0x2  }
0x74: {  	s0 =	rddreg [dreg:$0x0];
	s2 =	stileid.u32  }
0x75: {  	s1 =	rddreg [dreg:$0x1];
	p0 =	sne.s32 s2, $0x0  }
0x76: {  	s3 =	rddreg [dreg:$0x2];
	[bflag:$0x3] =	sbarrier.arrive $0xFFFF;
	s2 =	simm.s32 @!p0 $0x1C09  }
0x77: {  	[timem:s3], [sflag:s2] =	dma.local @!p0 [hbm:s0], s1  }
0x78: {  	s0 =	simm.s32 @!p0 $0x9  }
0x79: {  	_ =	swait.ge @!p0 [sflag:s0], s1  }
0x7a: {  	s1 =	ssub.s32 @!p0 $0x0, s1;
	[sflag:s0] =	ssyncset.done @!p0 $0x0  }
0x7b: {  	[sflag:s0] =	ssyncadd.s32 @!p0 s1  }
0x7c: {  	[bflag:$0x3] =	sbarrier.arrive $0xFFFF  }
0x7d: {  	_ =	shalt  }

</sc_bundles>
